<compile_context>
chip_gen: v7x
topology: tpu7x:2x2x1
jax: 0.10.2.dev20260603
libtpu: 0.0.44.dev20260713+nightly
codegen_flags: <defaults>
</compile_context>

<pallas_src>
import functools

import jax
import jax.numpy as jnp
from jax import lax
from jax.experimental import pallas as pl
from jax.experimental.pallas import tpu as pltpu
from jax.experimental.pallas import tpu_sc as plsc

_BS = 64
_SEQ = 200
_VOCAB = 1000
_N_OOV = 50
_D = 1024
_PAD = 0

_N_TOKENS = _BS * _SEQ
_LANES = 16
_CHUNK = 40


@functools.cache
def _build_gather():
    info = plsc.get_sparse_core_info()
    nc, ns = info.num_cores, info.num_subcores
    nw = nc * ns
    per_w = _N_TOKENS // nw
    assert per_w % _CHUNK == 0 and per_w % _LANES == 0
    n_chunks = per_w // _CHUNK
    n_vec = per_w // _LANES
    mesh = plsc.VectorSubcoreMesh(
        core_axis_name="c", subcore_axis_name="s")

    @functools.partial(
        pl.kernel,
        out_type=jax.ShapeDtypeStruct((_N_TOKENS, _D), jnp.float32),
        mesh=mesh,
        scratch_types=[
            pltpu.VMEM((per_w,), jnp.int32),
            pltpu.VMEM((_CHUNK, _D), jnp.float32),
            pltpu.VMEM((_CHUNK, _D), jnp.float32),
            pltpu.SemaphoreType.DMA,
            pltpu.SemaphoreType.DMA,
            pltpu.SemaphoreType.DMA,
            pltpu.SemaphoreType.DMA,
        ],
    )
    def gather_kernel(table_hbm, rows_hbm, out_hbm, idx_v,
                      rows_a, rows_b, g_sem_a, g_sem_b, o_sem_a, o_sem_b):
        wid = lax.axis_index("s") * nc + lax.axis_index("c")
        base = wid * per_w
        pltpu.sync_copy(rows_hbm.at[pl.ds(base, per_w)], idx_v)
        bufs = (rows_a, rows_b)
        g_sems = (g_sem_a, g_sem_b)
        o_sems = (o_sem_a, o_sem_b)

        def start_gather(c):
            return pltpu.async_copy(
                table_hbm.at[idx_v.at[pl.ds(c * _CHUNK, _CHUNK)]],
                bufs[c % 2], g_sems[c % 2])

        def start_out(c):
            return pltpu.async_copy(
                bufs[c % 2], out_hbm.at[pl.ds(base + c * _CHUNK, _CHUNK)],
                o_sems[c % 2])

        gather_d = [None] * n_chunks
        out_d = [None] * n_chunks
        for c in range(n_chunks):
            if c >= 2:
                out_d[c - 2].wait()
            gather_d[c] = start_gather(c)
            if c >= 1:
                gather_d[c - 1].wait()
                out_d[c - 1] = start_out(c - 1)
        gather_d[n_chunks - 1].wait()
        out_d[n_chunks - 1] = start_out(n_chunks - 1)
        if n_chunks >= 2:
            out_d[n_chunks - 2].wait()
        out_d[n_chunks - 1].wait()

    return gather_kernel


def kernel(tokens, oov_features, fixed_weights):
    tokens_i32 = tokens.astype(jnp.int32)
    table = jnp.concatenate(
        [fixed_weights, oov_features.reshape(_BS * _N_OOV, _D)], axis=0)
    boff = jnp.arange(_BS, dtype=jnp.int32)[:, None] * _N_OOV
    rows = jnp.where(tokens_i32 < _VOCAB, tokens_i32,
                     tokens_i32 + boff).reshape(_N_TOKENS)
    features = _build_gather()(table, rows).reshape(_BS, _SEQ, _D)
    padding_mask = (tokens == _PAD)[:, None, None, :]
    sequential_mask = jnp.triu(jnp.ones((_SEQ, _SEQ), dtype=bool), k=1)
    return (features, (padding_mask, sequential_mask))

# --- scband reference (transcript-rebuilt; emitter-appended) ---
"""Pipeline reference for scband-dynamic-embedding-21303037788511 (READ-ONLY COPY).

The authoritative reference and input builder live on the scoring server;
editing this copy changes nothing except your own understanding.
"""

import jax, jax.numpy as jnp
import numpy as np

BS = 64
SEQ = 200
VOCAB = 1000
N_OOV = 50
D_MODEL = 1024
PADDING_IDX = 0


def setup_inputs(seed: int = 0) -> dict:
    key = jax.random.key(seed)
    k1, k2, k3 = jax.random.split(key, 3)
    tokens = jax.random.randint(k1, (BS, SEQ), 0, VOCAB + N_OOV, dtype=jnp.int64 if jax.config.jax_enable_x64 else jnp.int32)
    oov_features = jax.random.normal(k2, (BS, N_OOV, D_MODEL), dtype=jnp.float32)
    # xavier_uniform init for fixed_weights (len(vocab), d_model)
    limit = float(np.sqrt(6.0 / (VOCAB + D_MODEL)))
    fixed_weights = jax.random.uniform(k3, (VOCAB, D_MODEL), dtype=jnp.float32, minval=-limit, maxval=limit)
    return {"tokens": tokens, "oov_features": oov_features, "fixed_weights": fixed_weights}


def generate_padding_mask(tokens, padding_idx):
    # (bs, 1, 1, seq_len) boolean, True where padding
    return (tokens == padding_idx)[:, None, None, :]


def generate_sequential_mask(seq_len):
    # (seq_len, seq_len) boolean causal mask, True above the diagonal (masked)
    return jnp.triu(jnp.ones((seq_len, seq_len), dtype=bool), k=1)


def batch_embedding(weights, tokens, padding_idx):
    # weights: (bs, L, d); tokens: (bs, seq)
    bs, length, d_model = weights.shape
    flattened_weights = weights.reshape(bs * length, d_model)
    batch_offsets = (jnp.arange(bs) * length)[:, None]
    flattened_tokens = tokens + batch_offsets
    results = jnp.take(flattened_weights, flattened_tokens, axis=0)
    return results


def reference(tokens, oov_features, fixed_weights):
    padding_mask = generate_padding_mask(tokens, PADDING_IDX)
    seq_len = tokens.shape[1]
    sequential_mask = generate_sequential_mask(seq_len)
    bs = tokens.shape[0]
    fixed = jnp.broadcast_to(fixed_weights[None, :, :], (bs, fixed_weights.shape[0], fixed_weights.shape[1]))
    weights = jnp.concatenate([fixed, oov_features], axis=1)
    features = batch_embedding(weights, tokens, PADDING_IDX)
    return (features, (padding_mask, sequential_mask))

if __name__ == "__main__":
    import jax
    _d = setup_inputs()
    print(jax.jit(kernel)(*tuple(_d.values())))

</pallas_src>

<mosaic_0001>
#map = affine_map<(d0, d1) -> (0, 0)>
#map1 = affine_map<(d0, d1) -> (0)>
module attributes {stable_mosaic.version = 14 : i64} {
  func.func @gather_kernel(%arg0: i32, %arg1: i32, %arg2: memref<4200x1024xf32, #tpu.memory_space<hbm>>, %arg3: memref<12800xi32, #tpu.memory_space<hbm>>, %arg4: memref<12800x1024xf32, #tpu.memory_space<hbm>>, %arg5: memref<400xi32, #tpu.memory_space<vmem>>, %arg6: memref<40x1024xf32, #tpu.memory_space<vmem>>, %arg7: memref<40x1024xf32, #tpu.memory_space<vmem>>, %arg8: memref<!tpu.dma_semaphore, #tpu.memory_space<semaphore_mem>>, %arg9: memref<!tpu.dma_semaphore, #tpu.memory_space<semaphore_mem>>, %arg10: memref<!tpu.dma_semaphore, #tpu.memory_space<semaphore_mem>>, %arg11: memref<!tpu.dma_semaphore, #tpu.memory_space<semaphore_mem>>) attributes {dimension_semantics = [#tpu.dimension_semantics<core_parallel>, #tpu.dimension_semantics<subcore_parallel>], iteration_bounds = array<i64: 2, 16>, scalar_prefetch = 0 : i64, scratch_operands = 7 : i64, tpu.core_type = #tpu.core_type<sc_vector_subcore>, window_params = [{transform_indices = #map}, {transform_indices = #map1}, {transform_indices = #map}]} {
    %mul3A = arith.constant 2 : i32
    %mul3A_0 = arith.muli %arg1, %mul3A : i32
    %add3A = arith.addi %mul3A_0, %arg0 : i32
    %mul3A_1 = arith.constant 400 : i32
    %mul3A_2 = arith.muli %add3A, %mul3A_1 : i32
    "tpu.region"() ({
      %run_scoped3A = tpu.sem_alloc : memref<!tpu.dma_semaphore, #tpu.memory_space<semaphore_mem>>
      %dma_start3A_201 = tpu.memref_slice %arg3[%mul3A_2] : memref<12800xi32, #tpu.memory_space<hbm>> -> memref<400xi32, #tpu.memory_space<hbm>>
      %dma_start3A_202 = tpu.memref_slice %arg3[%mul3A_2] : memref<12800xi32, #tpu.memory_space<hbm>> -> memref<400xi32, #tpu.memory_space<hbm>>
      tpu.enqueue_dma source(%dma_start3A_202 : memref<400xi32, #tpu.memory_space<hbm>>) target(%arg5 : memref<400xi32, #tpu.memory_space<vmem>>) target_semaphore(%run_scoped3A : memref<!tpu.dma_semaphore, #tpu.memory_space<semaphore_mem>>)
      %dma_wait3A_203 = tpu.memref_slice %arg3[%mul3A_2] : memref<12800xi32, #tpu.memory_space<hbm>> -> memref<400xi32, #tpu.memory_space<hbm>>
      %dma_wait3A_204 = tpu.memref_slice %arg3[%mul3A_2] : memref<12800xi32, #tpu.memory_space<hbm>> -> memref<400xi32, #tpu.memory_space<hbm>>
      tpu.wait_dma2 semaphore(%run_scoped3A : memref<!tpu.dma_semaphore, #tpu.memory_space<semaphore_mem>>) src(%dma_wait3A_204 : memref<400xi32, #tpu.memory_space<hbm>>) dst(%arg5 : memref<400xi32, #tpu.memory_space<vmem>>)
      tpu.yield
    }) : () -> ()
    %dma_start3A = arith.constant 0 : i32
    %dma_start3A_3 = tpu.memref_slice %arg5[%dma_start3A] : memref<400xi32, #tpu.memory_space<vmem>> -> memref<40xi32, #tpu.memory_space<vmem>>
    %dma_start3A_4 = arith.constant 0 : i32
    %dma_start3A_5 = arith.constant 0 : i32
    %dma_start3A_6 = tpu.memref_slice %arg2[%dma_start3A_4, %dma_start3A_5] : memref<4200x1024xf32, #tpu.memory_space<hbm>> -> memref<4200x1024xf32, #tpu.memory_space<hbm>>
    tpu.enqueue_indirect_dma source(%dma_start3A_6 : memref<4200x1024xf32, #tpu.memory_space<hbm>>) target(%arg6 : memref<40x1024xf32, #tpu.memory_space<vmem>>) offsets(%dma_start3A_3 : memref<40xi32, #tpu.memory_space<vmem>>) semaphore(%arg8 : memref<!tpu.dma_semaphore, #tpu.memory_space<semaphore_mem>>)
    %dma_start3A_7 = arith.constant 40 : i32
    %dma_start3A_8 = tpu.memref_slice %arg5[%dma_start3A_7] : memref<400xi32, #tpu.memory_space<vmem>> -> memref<40xi32, #tpu.memory_space<vmem>>
    %dma_start3A_9 = arith.constant 0 : i32
    %dma_start3A_10 = arith.constant 0 : i32
    %dma_start3A_11 = tpu.memref_slice %arg2[%dma_start3A_9, %dma_start3A_10] : memref<4200x1024xf32, #tpu.memory_space<hbm>> -> memref<4200x1024xf32, #tpu.memory_space<hbm>>
    tpu.enqueue_indirect_dma source(%dma_start3A_11 : memref<4200x1024xf32, #tpu.memory_space<hbm>>) target(%arg7 : memref<40x1024xf32, #tpu.memory_space<vmem>>) offsets(%dma_start3A_8 : memref<40xi32, #tpu.memory_space<vmem>>) semaphore(%arg9 : memref<!tpu.dma_semaphore, #tpu.memory_space<semaphore_mem>>)
    %dma_wait3A = arith.constant 0 : i32
    %dma_wait3A_12 = tpu.memref_slice %arg5[%dma_wait3A] : memref<400xi32, #tpu.memory_space<vmem>> -> memref<40xi32, #tpu.memory_space<vmem>>
    %dma_wait3A_13 = arith.constant 0 : i32
    %dma_wait3A_14 = arith.constant 0 : i32
    %dma_wait3A_15 = tpu.memref_slice %arg2[%dma_wait3A_13, %dma_wait3A_14] : memref<4200x1024xf32, #tpu.memory_space<hbm>> -> memref<4200x1024xf32, #tpu.memory_space<hbm>>
    tpu.wait_indirect_dma semaphore(%arg8 : memref<!tpu.dma_semaphore, #tpu.memory_space<semaphore_mem>>) src(%dma_wait3A_15 : memref<4200x1024xf32, #tpu.memory_space<hbm>>) dst(%arg6 : memref<40x1024xf32, #tpu.memory_space<vmem>>)
    %add3A_16 = arith.constant 0 : i32
    %add3A_17 = arith.addi %mul3A_2, %add3A_16 : i32
    %dma_start3A_18 = arith.constant 0 : i32
    %dma_start3A_19 = tpu.memref_slice %arg4[%add3A_17, %dma_start3A_18] : memref<12800x1024xf32, #tpu.memory_space<hbm>> -> memref<40x1024xf32, #tpu.memory_space<hbm>>
    %dma_start3A_20 = arith.constant 0 : i32
    %dma_start3A_21 = tpu.memref_slice %arg4[%add3A_17, %dma_start3A_20] : memref<12800x1024xf32, #tpu.memory_space<hbm>> -> memref<40x1024xf32, #tpu.memory_space<hbm>>
    tpu.enqueue_dma source(%arg6 : memref<40x1024xf32, #tpu.memory_space<vmem>>) target(%dma_start3A_21 : memref<40x1024xf32, #tpu.memory_space<hbm>>) target_semaphore(%arg10 : memref<!tpu.dma_semaphore, #tpu.memory_space<semaphore_mem>>)
    %dma_wait3A_22 = arith.constant 0 : i32
    %dma_wait3A_23 = tpu.memref_slice %arg4[%add3A_17, %dma_wait3A_22] : memref<12800x1024xf32, #tpu.memory_space<hbm>> -> memref<40x1024xf32, #tpu.memory_space<hbm>>
    %dma_wait3A_24 = arith.constant 0 : i32
    %dma_wait3A_25 = tpu.memref_slice %arg4[%add3A_17, %dma_wait3A_24] : memref<12800x1024xf32, #tpu.memory_space<hbm>> -> memref<40x1024xf32, #tpu.memory_space<hbm>>
    tpu.wait_dma2 semaphore(%arg10 : memref<!tpu.dma_semaphore, #tpu.memory_space<semaphore_mem>>) src(%arg6 : memref<40x1024xf32, #tpu.memory_space<vmem>>) dst(%dma_wait3A_25 : memref<40x1024xf32, #tpu.memory_space<hbm>>)
    %dma_start3A_26 = arith.constant 80 : i32
    %dma_start3A_27 = tpu.memref_slice %arg5[%dma_start3A_26] : memref<400xi32, #tpu.memory_space<vmem>> -> memref<40xi32, #tpu.memory_space<vmem>>
    %dma_start3A_28 = arith.constant 0 : i32
    %dma_start3A_29 = arith.constant 0 : i32
    %dma_start3A_30 = tpu.memref_slice %arg2[%dma_start3A_28, %dma_start3A_29] : memref<4200x1024xf32, #tpu.memory_space<hbm>> -> memref<4200x1024xf32, #tpu.memory_space<hbm>>
    tpu.enqueue_indirect_dma source(%dma_start3A_30 : memref<4200x1024xf32, #tpu.memory_space<hbm>>) target(%arg6 : memref<40x1024xf32, #tpu.memory_space<vmem>>) offsets(%dma_start3A_27 : memref<40xi32, #tpu.memory_space<vmem>>) semaphore(%arg8 : memref<!tpu.dma_semaphore, #tpu.memory_space<semaphore_mem>>)
    %dma_wait3A_31 = arith.constant 40 : i32
    %dma_wait3A_32 = tpu.memref_slice %arg5[%dma_wait3A_31] : memref<400xi32, #tpu.memory_space<vmem>> -> memref<40xi32, #tpu.memory_space<vmem>>
    %dma_wait3A_33 = arith.constant 0 : i32
    %dma_wait3A_34 = arith.constant 0 : i32
    %dma_wait3A_35 = tpu.memref_slice %arg2[%dma_wait3A_33, %dma_wait3A_34] : memref<4200x1024xf32, #tpu.memory_space<hbm>> -> memref<4200x1024xf32, #tpu.memory_space<hbm>>
    tpu.wait_indirect_dma semaphore(%arg9 : memref<!tpu.dma_semaphore, #tpu.memory_space<semaphore_mem>>) src(%dma_wait3A_35 : memref<4200x1024xf32, #tpu.memory_space<hbm>>) dst(%arg7 : memref<40x1024xf32, #tpu.memory_space<vmem>>)
    %add3A_36 = arith.constant 40 : i32
    %add3A_37 = arith.addi %mul3A_2, %add3A_36 : i32
    %dma_start3A_38 = arith.constant 0 : i32
    %dma_start3A_39 = tpu.memref_slice %arg4[%add3A_37, %dma_start3A_38] : memref<12800x1024xf32, #tpu.memory_space<hbm>> -> memref<40x1024xf32, #tpu.memory_space<hbm>>
    %dma_start3A_40 = arith.constant 0 : i32
    %dma_start3A_41 = tpu.memref_slice %arg4[%add3A_37, %dma_start3A_40] : memref<12800x1024xf32, #tpu.memory_space<hbm>> -> memref<40x1024xf32, #tpu.memory_space<hbm>>
    tpu.enqueue_dma source(%arg7 : memref<40x1024xf32, #tpu.memory_space<vmem>>) target(%dma_start3A_41 : memref<40x1024xf32, #tpu.memory_space<hbm>>) target_semaphore(%arg11 : memref<!tpu.dma_semaphore, #tpu.memory_space<semaphore_mem>>)
    %dma_wait3A_42 = arith.constant 0 : i32
    %dma_wait3A_43 = tpu.memref_slice %arg4[%add3A_37, %dma_wait3A_42] : memref<12800x1024xf32, #tpu.memory_space<hbm>> -> memref<40x1024xf32, #tpu.memory_space<hbm>>
    %dma_wait3A_44 = arith.constant 0 : i32
    %dma_wait3A_45 = tpu.memref_slice %arg4[%add3A_37, %dma_wait3A_44] : memref<12800x1024xf32, #tpu.memory_space<hbm>> -> memref<40x1024xf32, #tpu.memory_space<hbm>>
    tpu.wait_dma2 semaphore(%arg11 : memref<!tpu.dma_semaphore, #tpu.memory_space<semaphore_mem>>) src(%arg7 : memref<40x1024xf32, #tpu.memory_space<vmem>>) dst(%dma_wait3A_45 : memref<40x1024xf32, #tpu.memory_space<hbm>>)
    %dma_start3A_46 = arith.constant 120 : i32
    %dma_start3A_47 = tpu.memref_slice %arg5[%dma_start3A_46] : memref<400xi32, #tpu.memory_space<vmem>> -> memref<40xi32, #tpu.memory_space<vmem>>
    %dma_start3A_48 = arith.constant 0 : i32
    %dma_start3A_49 = arith.constant 0 : i32
    %dma_start3A_50 = tpu.memref_slice %arg2[%dma_start3A_48, %dma_start3A_49] : memref<4200x1024xf32, #tpu.memory_space<hbm>> -> memref<4200x1024xf32, #tpu.memory_space<hbm>>
    tpu.enqueue_indirect_dma source(%dma_start3A_50 : memref<4200x1024xf32, #tpu.memory_space<hbm>>) target(%arg7 : memref<40x1024xf32, #tpu.memory_space<vmem>>) offsets(%dma_start3A_47 : memref<40xi32, #tpu.memory_space<vmem>>) semaphore(%arg9 : memref<!tpu.dma_semaphore, #tpu.memory_space<semaphore_mem>>)
    %dma_wait3A_51 = arith.constant 80 : i32
    %dma_wait3A_52 = tpu.memref_slice %arg5[%dma_wait3A_51] : memref<400xi32, #tpu.memory_space<vmem>> -> memref<40xi32, #tpu.memory_space<vmem>>
    %dma_wait3A_53 = arith.constant 0 : i32
    %dma_wait3A_54 = arith.constant 0 : i32
    %dma_wait3A_55 = tpu.memref_slice %arg2[%dma_wait3A_53, %dma_wait3A_54] : memref<4200x1024xf32, #tpu.memory_space<hbm>> -> memref<4200x1024xf32, #tpu.memory_space<hbm>>
    tpu.wait_indirect_dma semaphore(%arg8 : memref<!tpu.dma_semaphore, #tpu.memory_space<semaphore_mem>>) src(%dma_wait3A_55 : memref<4200x1024xf32, #tpu.memory_space<hbm>>) dst(%arg6 : memref<40x1024xf32, #tpu.memory_space<vmem>>)
    %add3A_56 = arith.constant 80 : i32
    %add3A_57 = arith.addi %mul3A_2, %add3A_56 : i32
    %dma_start3A_58 = arith.constant 0 : i32
    %dma_start3A_59 = tpu.memref_slice %arg4[%add3A_57, %dma_start3A_58] : memref<12800x1024xf32, #tpu.memory_space<hbm>> -> memref<40x1024xf32, #tpu.memory_space<hbm>>
    %dma_start3A_60 = arith.constant 0 : i32
    %dma_start3A_61 = tpu.memref_slice %arg4[%add3A_57, %dma_start3A_60] : memref<12800x1024xf32, #tpu.memory_space<hbm>> -> memref<40x1024xf32, #tpu.memory_space<hbm>>
    tpu.enqueue_dma source(%arg6 : memref<40x1024xf32, #tpu.memory_space<vmem>>) target(%dma_start3A_61 : memref<40x1024xf32, #tpu.memory_space<hbm>>) target_semaphore(%arg10 : memref<!tpu.dma_semaphore, #tpu.memory_space<semaphore_mem>>)
    %dma_wait3A_62 = arith.constant 0 : i32
    %dma_wait3A_63 = tpu.memref_slice %arg4[%add3A_57, %dma_wait3A_62] : memref<12800x1024xf32, #tpu.memory_space<hbm>> -> memref<40x1024xf32, #tpu.memory_space<hbm>>
    %dma_wait3A_64 = arith.constant 0 : i32
    %dma_wait3A_65 = tpu.memref_slice %arg4[%add3A_57, %dma_wait3A_64] : memref<12800x1024xf32, #tpu.memory_space<hbm>> -> memref<40x1024xf32, #tpu.memory_space<hbm>>
    tpu.wait_dma2 semaphore(%arg10 : memref<!tpu.dma_semaphore, #tpu.memory_space<semaphore_mem>>) src(%arg6 : memref<40x1024xf32, #tpu.memory_space<vmem>>) dst(%dma_wait3A_65 : memref<40x1024xf32, #tpu.memory_space<hbm>>)
    %dma_start3A_66 = arith.constant 160 : i32
    %dma_start3A_67 = tpu.memref_slice %arg5[%dma_start3A_66] : memref<400xi32, #tpu.memory_space<vmem>> -> memref<40xi32, #tpu.memory_space<vmem>>
    %dma_start3A_68 = arith.constant 0 : i32
    %dma_start3A_69 = arith.constant 0 : i32
    %dma_start3A_70 = tpu.memref_slice %arg2[%dma_start3A_68, %dma_start3A_69] : memref<4200x1024xf32, #tpu.memory_space<hbm>> -> memref<4200x1024xf32, #tpu.memory_space<hbm>>
    tpu.enqueue_indirect_dma source(%dma_start3A_70 : memref<4200x1024xf32, #tpu.memory_space<hbm>>) target(%arg6 : memref<40x1024xf32, #tpu.memory_space<vmem>>) offsets(%dma_start3A_67 : memref<40xi32, #tpu.memory_space<vmem>>) semaphore(%arg8 : memref<!tpu.dma_semaphore, #tpu.memory_space<semaphore_mem>>)
    %dma_wait3A_71 = arith.constant 120 : i32
    %dma_wait3A_72 = tpu.memref_slice %arg5[%dma_wait3A_71] : memref<400xi32, #tpu.memory_space<vmem>> -> memref<40xi32, #tpu.memory_space<vmem>>
    %dma_wait3A_73 = arith.constant 0 : i32
    %dma_wait3A_74 = arith.constant 0 : i32
    %dma_wait3A_75 = tpu.memref_slice %arg2[%dma_wait3A_73, %dma_wait3A_74] : memref<4200x1024xf32, #tpu.memory_space<hbm>> -> memref<4200x1024xf32, #tpu.memory_space<hbm>>
    tpu.wait_indirect_dma semaphore(%arg9 : memref<!tpu.dma_semaphore, #tpu.memory_space<semaphore_mem>>) src(%dma_wait3A_75 : memref<4200x1024xf32, #tpu.memory_space<hbm>>) dst(%arg7 : memref<40x1024xf32, #tpu.memory_space<vmem>>)
    %add3A_76 = arith.constant 120 : i32
    %add3A_77 = arith.addi %mul3A_2, %add3A_76 : i32
    %dma_start3A_78 = arith.constant 0 : i32
    %dma_start3A_79 = tpu.memref_slice %arg4[%add3A_77, %dma_start3A_78] : memref<12800x1024xf32, #tpu.memory_space<hbm>> -> memref<40x1024xf32, #tpu.memory_space<hbm>>
    %dma_start3A_80 = arith.constant 0 : i32
    %dma_start3A_81 = tpu.memref_slice %arg4[%add3A_77, %dma_start3A_80] : memref<12800x1024xf32, #tpu.memory_space<hbm>> -> memref<40x1024xf32, #tpu.memory_space<hbm>>
    tpu.enqueue_dma source(%arg7 : memref<40x1024xf32, #tpu.memory_space<vmem>>) target(%dma_start3A_81 : memref<40x1024xf32, #tpu.memory_space<hbm>>) target_semaphore(%arg11 : memref<!tpu.dma_semaphore, #tpu.memory_space<semaphore_mem>>)
    %dma_wait3A_82 = arith.constant 0 : i32
    %dma_wait3A_83 = tpu.memref_slice %arg4[%add3A_77, %dma_wait3A_82] : memref<12800x1024xf32, #tpu.memory_space<hbm>> -> memref<40x1024xf32, #tpu.memory_space<hbm>>
    %dma_wait3A_84 = arith.constant 0 : i32
    %dma_wait3A_85 = tpu.memref_slice %arg4[%add3A_77, %dma_wait3A_84] : memref<12800x1024xf32, #tpu.memory_space<hbm>> -> memref<40x1024xf32, #tpu.memory_space<hbm>>
    tpu.wait_dma2 semaphore(%arg11 : memref<!tpu.dma_semaphore, #tpu.memory_space<semaphore_mem>>) src(%arg7 : memref<40x1024xf32, #tpu.memory_space<vmem>>) dst(%dma_wait3A_85 : memref<40x1024xf32, #tpu.memory_space<hbm>>)
    %dma_start3A_86 = arith.constant 200 : i32
    %dma_start3A_87 = tpu.memref_slice %arg5[%dma_start3A_86] : memref<400xi32, #tpu.memory_space<vmem>> -> memref<40xi32, #tpu.memory_space<vmem>>
    %dma_start3A_88 = arith.constant 0 : i32
    %dma_start3A_89 = arith.constant 0 : i32
    %dma_start3A_90 = tpu.memref_slice %arg2[%dma_start3A_88, %dma_start3A_89] : memref<4200x1024xf32, #tpu.memory_space<hbm>> -> memref<4200x1024xf32, #tpu.memory_space<hbm>>
    tpu.enqueue_indirect_dma source(%dma_start3A_90 : memref<4200x1024xf32, #tpu.memory_space<hbm>>) target(%arg7 : memref<40x1024xf32, #tpu.memory_space<vmem>>) offsets(%dma_start3A_87 : memref<40xi32, #tpu.memory_space<vmem>>) semaphore(%arg9 : memref<!tpu.dma_semaphore, #tpu.memory_space<semaphore_mem>>)
    %dma_wait3A_91 = arith.constant 160 : i32
    %dma_wait3A_92 = tpu.memref_slice %arg5[%dma_wait3A_91] : memref<400xi32, #tpu.memory_space<vmem>> -> memref<40xi32, #tpu.memory_space<vmem>>
    %dma_wait3A_93 = arith.constant 0 : i32
    %dma_wait3A_94 = arith.constant 0 : i32
    %dma_wait3A_95 = tpu.memref_slice %arg2[%dma_wait3A_93, %dma_wait3A_94] : memref<4200x1024xf32, #tpu.memory_space<hbm>> -> memref<4200x1024xf32, #tpu.memory_space<hbm>>
    tpu.wait_indirect_dma semaphore(%arg8 : memref<!tpu.dma_semaphore, #tpu.memory_space<semaphore_mem>>) src(%dma_wait3A_95 : memref<4200x1024xf32, #tpu.memory_space<hbm>>) dst(%arg6 : memref<40x1024xf32, #tpu.memory_space<vmem>>)
    %add3A_96 = arith.constant 160 : i32
    %add3A_97 = arith.addi %mul3A_2, %add3A_96 : i32
    %dma_start3A_98 = arith.constant 0 : i32
    %dma_start3A_99 = tpu.memref_slice %arg4[%add3A_97, %dma_start3A_98] : memref<12800x1024xf32, #tpu.memory_space<hbm>> -> memref<40x1024xf32, #tpu.memory_space<hbm>>
    %dma_start3A_100 = arith.constant 0 : i32
    %dma_start3A_101 = tpu.memref_slice %arg4[%add3A_97, %dma_start3A_100] : memref<12800x1024xf32, #tpu.memory_space<hbm>> -> memref<40x1024xf32, #tpu.memory_space<hbm>>
    tpu.enqueue_dma source(%arg6 : memref<40x1024xf32, #tpu.memory_space<vmem>>) target(%dma_start3A_101 : memref<40x1024xf32, #tpu.memory_space<hbm>>) target_semaphore(%arg10 : memref<!tpu.dma_semaphore, #tpu.memory_space<semaphore_mem>>)
    %dma_wait3A_102 = arith.constant 0 : i32
    %dma_wait3A_103 = tpu.memref_slice %arg4[%add3A_97, %dma_wait3A_102] : memref<12800x1024xf32, #tpu.memory_space<hbm>> -> memref<40x1024xf32, #tpu.memory_space<hbm>>
    %dma_wait3A_104 = arith.constant 0 : i32
    %dma_wait3A_105 = tpu.memref_slice %arg4[%add3A_97, %dma_wait3A_104] : memref<12800x1024xf32, #tpu.memory_space<hbm>> -> memref<40x1024xf32, #tpu.memory_space<hbm>>
    tpu.wait_dma2 semaphore(%arg10 : memref<!tpu.dma_semaphore, #tpu.memory_space<semaphore_mem>>) src(%arg6 : memref<40x1024xf32, #tpu.memory_space<vmem>>) dst(%dma_wait3A_105 : memref<40x1024xf32, #tpu.memory_space<hbm>>)
    %dma_start3A_106 = arith.constant 240 : i32
    %dma_start3A_107 = tpu.memref_slice %arg5[%dma_start3A_106] : memref<400xi32, #tpu.memory_space<vmem>> -> memref<40xi32, #tpu.memory_space<vmem>>
    %dma_start3A_108 = arith.constant 0 : i32
    %dma_start3A_109 = arith.constant 0 : i32
    %dma_start3A_110 = tpu.memref_slice %arg2[%dma_start3A_108, %dma_start3A_109] : memref<4200x1024xf32, #tpu.memory_space<hbm>> -> memref<4200x1024xf32, #tpu.memory_space<hbm>>
    tpu.enqueue_indirect_dma source(%dma_start3A_110 : memref<4200x1024xf32, #tpu.memory_space<hbm>>) target(%arg6 : memref<40x1024xf32, #tpu.memory_space<vmem>>) offsets(%dma_start3A_107 : memref<40xi32, #tpu.memory_space<vmem>>) semaphore(%arg8 : memref<!tpu.dma_semaphore, #tpu.memory_space<semaphore_mem>>)
    %dma_wait3A_111 = arith.constant 200 : i32
    %dma_wait3A_112 = tpu.memref_slice %arg5[%dma_wait3A_111] : memref<400xi32, #tpu.memory_space<vmem>> -> memref<40xi32, #tpu.memory_space<vmem>>
    %dma_wait3A_113 = arith.constant 0 : i32
    %dma_wait3A_114 = arith.constant 0 : i32
    %dma_wait3A_115 = tpu.memref_slice %arg2[%dma_wait3A_113, %dma_wait3A_114] : memref<4200x1024xf32, #tpu.memory_space<hbm>> -> memref<4200x1024xf32, #tpu.memory_space<hbm>>
    tpu.wait_indirect_dma semaphore(%arg9 : memref<!tpu.dma_semaphore, #tpu.memory_space<semaphore_mem>>) src(%dma_wait3A_115 : memref<4200x1024xf32, #tpu.memory_space<hbm>>) dst(%arg7 : memref<40x1024xf32, #tpu.memory_space<vmem>>)
    %add3A_116 = arith.constant 200 : i32
    %add3A_117 = arith.addi %mul3A_2, %add3A_116 : i32
    %dma_start3A_118 = arith.constant 0 : i32
    %dma_start3A_119 = tpu.memref_slice %arg4[%add3A_117, %dma_start3A_118] : memref<12800x1024xf32, #tpu.memory_space<hbm>> -> memref<40x1024xf32, #tpu.memory_space<hbm>>
    %dma_start3A_120 = arith.constant 0 : i32
    %dma_start3A_121 = tpu.memref_slice %arg4[%add3A_117, %dma_start3A_120] : memref<12800x1024xf32, #tpu.memory_space<hbm>> -> memref<40x1024xf32, #tpu.memory_space<hbm>>
    tpu.enqueue_dma source(%arg7 : memref<40x1024xf32, #tpu.memory_space<vmem>>) target(%dma_start3A_121 : memref<40x1024xf32, #tpu.memory_space<hbm>>) target_semaphore(%arg11 : memref<!tpu.dma_semaphore, #tpu.memory_space<semaphore_mem>>)
    %dma_wait3A_122 = arith.constant 0 : i32
    %dma_wait3A_123 = tpu.memref_slice %arg4[%add3A_117, %dma_wait3A_122] : memref<12800x1024xf32, #tpu.memory_space<hbm>> -> memref<40x1024xf32, #tpu.memory_space<hbm>>
    %dma_wait3A_124 = arith.constant 0 : i32
    %dma_wait3A_125 = tpu.memref_slice %arg4[%add3A_117, %dma_wait3A_124] : memref<12800x1024xf32, #tpu.memory_space<hbm>> -> memref<40x1024xf32, #tpu.memory_space<hbm>>
    tpu.wait_dma2 semaphore(%arg11 : memref<!tpu.dma_semaphore, #tpu.memory_space<semaphore_mem>>) src(%arg7 : memref<40x1024xf32, #tpu.memory_space<vmem>>) dst(%dma_wait3A_125 : memref<40x1024xf32, #tpu.memory_space<hbm>>)
    %dma_start3A_126 = arith.constant 280 : i32
    %dma_start3A_127 = tpu.memref_slice %arg5[%dma_start3A_126] : memref<400xi32, #tpu.memory_space<vmem>> -> memref<40xi32, #tpu.memory_space<vmem>>
    %dma_start3A_128 = arith.constant 0 : i32
    %dma_start3A_129 = arith.constant 0 : i32
    %dma_start3A_130 = tpu.memref_slice %arg2[%dma_start3A_128, %dma_start3A_129] : memref<4200x1024xf32, #tpu.memory_space<hbm>> -> memref<4200x1024xf32, #tpu.memory_space<hbm>>
    tpu.enqueue_indirect_dma source(%dma_start3A_130 : memref<4200x1024xf32, #tpu.memory_space<hbm>>) target(%arg7 : memref<40x1024xf32, #tpu.memory_space<vmem>>) offsets(%dma_start3A_127 : memref<40xi32, #tpu.memory_space<vmem>>) semaphore(%arg9 : memref<!tpu.dma_semaphore, #tpu.memory_space<semaphore_mem>>)
    %dma_wait3A_131 = arith.constant 240 : i32
    %dma_wait3A_132 = tpu.memref_slice %arg5[%dma_wait3A_131] : memref<400xi32, #tpu.memory_space<vmem>> -> memref<40xi32, #tpu.memory_space<vmem>>
    %dma_wait3A_133 = arith.constant 0 : i32
    %dma_wait3A_134 = arith.constant 0 : i32
    %dma_wait3A_135 = tpu.memref_slice %arg2[%dma_wait3A_133, %dma_wait3A_134] : memref<4200x1024xf32, #tpu.memory_space<hbm>> -> memref<4200x1024xf32, #tpu.memory_space<hbm>>
    tpu.wait_indirect_dma semaphore(%arg8 : memref<!tpu.dma_semaphore, #tpu.memory_space<semaphore_mem>>) src(%dma_wait3A_135 : memref<4200x1024xf32, #tpu.memory_space<hbm>>) dst(%arg6 : memref<40x1024xf32, #tpu.memory_space<vmem>>)
    %add3A_136 = arith.constant 240 : i32
    %add3A_137 = arith.addi %mul3A_2, %add3A_136 : i32
    %dma_start3A_138 = arith.constant 0 : i32
    %dma_start3A_139 = tpu.memref_slice %arg4[%add3A_137, %dma_start3A_138] : memref<12800x1024xf32, #tpu.memory_space<hbm>> -> memref<40x1024xf32, #tpu.memory_space<hbm>>
    %dma_start3A_140 = arith.constant 0 : i32
    %dma_start3A_141 = tpu.memref_slice %arg4[%add3A_137, %dma_start3A_140] : memref<12800x1024xf32, #tpu.memory_space<hbm>> -> memref<40x1024xf32, #tpu.memory_space<hbm>>
    tpu.enqueue_dma source(%arg6 : memref<40x1024xf32, #tpu.memory_space<vmem>>) target(%dma_start3A_141 : memref<40x1024xf32, #tpu.memory_space<hbm>>) target_semaphore(%arg10 : memref<!tpu.dma_semaphore, #tpu.memory_space<semaphore_mem>>)
    %dma_wait3A_142 = arith.constant 0 : i32
    %dma_wait3A_143 = tpu.memref_slice %arg4[%add3A_137, %dma_wait3A_142] : memref<12800x1024xf32, #tpu.memory_space<hbm>> -> memref<40x1024xf32, #tpu.memory_space<hbm>>
    %dma_wait3A_144 = arith.constant 0 : i32
    %dma_wait3A_145 = tpu.memref_slice %arg4[%add3A_137, %dma_wait3A_144] : memref<12800x1024xf32, #tpu.memory_space<hbm>> -> memref<40x1024xf32, #tpu.memory_space<hbm>>
    tpu.wait_dma2 semaphore(%arg10 : memref<!tpu.dma_semaphore, #tpu.memory_space<semaphore_mem>>) src(%arg6 : memref<40x1024xf32, #tpu.memory_space<vmem>>) dst(%dma_wait3A_145 : memref<40x1024xf32, #tpu.memory_space<hbm>>)
    %dma_start3A_146 = arith.constant 320 : i32
    %dma_start3A_147 = tpu.memref_slice %arg5[%dma_start3A_146] : memref<400xi32, #tpu.memory_space<vmem>> -> memref<40xi32, #tpu.memory_space<vmem>>
    %dma_start3A_148 = arith.constant 0 : i32
    %dma_start3A_149 = arith.constant 0 : i32
    %dma_start3A_150 = tpu.memref_slice %arg2[%dma_start3A_148, %dma_start3A_149] : memref<4200x1024xf32, #tpu.memory_space<hbm>> -> memref<4200x1024xf32, #tpu.memory_space<hbm>>
    tpu.enqueue_indirect_dma source(%dma_start3A_150 : memref<4200x1024xf32, #tpu.memory_space<hbm>>) target(%arg6 : memref<40x1024xf32, #tpu.memory_space<vmem>>) offsets(%dma_start3A_147 : memref<40xi32, #tpu.memory_space<vmem>>) semaphore(%arg8 : memref<!tpu.dma_semaphore, #tpu.memory_space<semaphore_mem>>)
    %dma_wait3A_151 = arith.constant 280 : i32
    %dma_wait3A_152 = tpu.memref_slice %arg5[%dma_wait3A_151] : memref<400xi32, #tpu.memory_space<vmem>> -> memref<40xi32, #tpu.memory_space<vmem>>
    %dma_wait3A_153 = arith.constant 0 : i32
    %dma_wait3A_154 = arith.constant 0 : i32
    %dma_wait3A_155 = tpu.memref_slice %arg2[%dma_wait3A_153, %dma_wait3A_154] : memref<4200x1024xf32, #tpu.memory_space<hbm>> -> memref<4200x1024xf32, #tpu.memory_space<hbm>>
    tpu.wait_indirect_dma semaphore(%arg9 : memref<!tpu.dma_semaphore, #tpu.memory_space<semaphore_mem>>) src(%dma_wait3A_155 : memref<4200x1024xf32, #tpu.memory_space<hbm>>) dst(%arg7 : memref<40x1024xf32, #tpu.memory_space<vmem>>)
    %add3A_156 = arith.constant 280 : i32
    %add3A_157 = arith.addi %mul3A_2, %add3A_156 : i32
    %dma_start3A_158 = arith.constant 0 : i32
    %dma_start3A_159 = tpu.memref_slice %arg4[%add3A_157, %dma_start3A_158] : memref<12800x1024xf32, #tpu.memory_space<hbm>> -> memref<40x1024xf32, #tpu.memory_space<hbm>>
    %dma_start3A_160 = arith.constant 0 : i32
    %dma_start3A_161 = tpu.memref_slice %arg4[%add3A_157, %dma_start3A_160] : memref<12800x1024xf32, #tpu.memory_space<hbm>> -> memref<40x1024xf32, #tpu.memory_space<hbm>>
    tpu.enqueue_dma source(%arg7 : memref<40x1024xf32, #tpu.memory_space<vmem>>) target(%dma_start3A_161 : memref<40x1024xf32, #tpu.memory_space<hbm>>) target_semaphore(%arg11 : memref<!tpu.dma_semaphore, #tpu.memory_space<semaphore_mem>>)
    %dma_wait3A_162 = arith.constant 0 : i32
    %dma_wait3A_163 = tpu.memref_slice %arg4[%add3A_157, %dma_wait3A_162] : memref<12800x1024xf32, #tpu.memory_space<hbm>> -> memref<40x1024xf32, #tpu.memory_space<hbm>>
    %dma_wait3A_164 = arith.constant 0 : i32
    %dma_wait3A_165 = tpu.memref_slice %arg4[%add3A_157, %dma_wait3A_164] : memref<12800x1024xf32, #tpu.memory_space<hbm>> -> memref<40x1024xf32, #tpu.memory_space<hbm>>
    tpu.wait_dma2 semaphore(%arg11 : memref<!tpu.dma_semaphore, #tpu.memory_space<semaphore_mem>>) src(%arg7 : memref<40x1024xf32, #tpu.memory_space<vmem>>) dst(%dma_wait3A_165 : memref<40x1024xf32, #tpu.memory_space<hbm>>)
    %dma_start3A_166 = arith.constant 360 : i32
    %dma_start3A_167 = tpu.memref_slice %arg5[%dma_start3A_166] : memref<400xi32, #tpu.memory_space<vmem>> -> memref<40xi32, #tpu.memory_space<vmem>>
    %dma_start3A_168 = arith.constant 0 : i32
    %dma_start3A_169 = arith.constant 0 : i32
    %dma_start3A_170 = tpu.memref_slice %arg2[%dma_start3A_168, %dma_start3A_169] : memref<4200x1024xf32, #tpu.memory_space<hbm>> -> memref<4200x1024xf32, #tpu.memory_space<hbm>>
    tpu.enqueue_indirect_dma source(%dma_start3A_170 : memref<4200x1024xf32, #tpu.memory_space<hbm>>) target(%arg7 : memref<40x1024xf32, #tpu.memory_space<vmem>>) offsets(%dma_start3A_167 : memref<40xi32, #tpu.memory_space<vmem>>) semaphore(%arg9 : memref<!tpu.dma_semaphore, #tpu.memory_space<semaphore_mem>>)
    %dma_wait3A_171 = arith.constant 320 : i32
    %dma_wait3A_172 = tpu.memref_slice %arg5[%dma_wait3A_171] : memref<400xi32, #tpu.memory_space<vmem>> -> memref<40xi32, #tpu.memory_space<vmem>>
    %dma_wait3A_173 = arith.constant 0 : i32
    %dma_wait3A_174 = arith.constant 0 : i32
    %dma_wait3A_175 = tpu.memref_slice %arg2[%dma_wait3A_173, %dma_wait3A_174] : memref<4200x1024xf32, #tpu.memory_space<hbm>> -> memref<4200x1024xf32, #tpu.memory_space<hbm>>
    tpu.wait_indirect_dma semaphore(%arg8 : memref<!tpu.dma_semaphore, #tpu.memory_space<semaphore_mem>>) src(%dma_wait3A_175 : memref<4200x1024xf32, #tpu.memory_space<hbm>>) dst(%arg6 : memref<40x1024xf32, #tpu.memory_space<vmem>>)
    %add3A_176 = arith.constant 320 : i32
    %add3A_177 = arith.addi %mul3A_2, %add3A_176 : i32
    %dma_start3A_178 = arith.constant 0 : i32
    %dma_start3A_179 = tpu.memref_slice %arg4[%add3A_177, %dma_start3A_178] : memref<12800x1024xf32, #tpu.memory_space<hbm>> -> memref<40x1024xf32, #tpu.memory_space<hbm>>
    %dma_start3A_180 = arith.constant 0 : i32
    %dma_start3A_181 = tpu.memref_slice %arg4[%add3A_177, %dma_start3A_180] : memref<12800x1024xf32, #tpu.memory_space<hbm>> -> memref<40x1024xf32, #tpu.memory_space<hbm>>
    tpu.enqueue_dma source(%arg6 : memref<40x1024xf32, #tpu.memory_space<vmem>>) target(%dma_start3A_181 : memref<40x1024xf32, #tpu.memory_space<hbm>>) target_semaphore(%arg10 : memref<!tpu.dma_semaphore, #tpu.memory_space<semaphore_mem>>)
    %dma_wait3A_182 = arith.constant 360 : i32
    %dma_wait3A_183 = tpu.memref_slice %arg5[%dma_wait3A_182] : memref<400xi32, #tpu.memory_space<vmem>> -> memref<40xi32, #tpu.memory_space<vmem>>
    %dma_wait3A_184 = arith.constant 0 : i32
    %dma_wait3A_185 = arith.constant 0 : i32
    %dma_wait3A_186 = tpu.memref_slice %arg2[%dma_wait3A_184, %dma_wait3A_185] : memref<4200x1024xf32, #tpu.memory_space<hbm>> -> memref<4200x1024xf32, #tpu.memory_space<hbm>>
    tpu.wait_indirect_dma semaphore(%arg9 : memref<!tpu.dma_semaphore, #tpu.memory_space<semaphore_mem>>) src(%dma_wait3A_186 : memref<4200x1024xf32, #tpu.memory_space<hbm>>) dst(%arg7 : memref<40x1024xf32, #tpu.memory_space<vmem>>)
    %add3A_187 = arith.constant 360 : i32
    %add3A_188 = arith.addi %mul3A_2, %add3A_187 : i32
    %dma_start3A_189 = arith.constant 0 : i32
    %dma_start3A_190 = tpu.memref_slice %arg4[%add3A_188, %dma_start3A_189] : memref<12800x1024xf32, #tpu.memory_space<hbm>> -> memref<40x1024xf32, #tpu.memory_space<hbm>>
    %dma_start3A_191 = arith.constant 0 : i32
    %dma_start3A_192 = tpu.memref_slice %arg4[%add3A_188, %dma_start3A_191] : memref<12800x1024xf32, #tpu.memory_space<hbm>> -> memref<40x1024xf32, #tpu.memory_space<hbm>>
    tpu.enqueue_dma source(%arg7 : memref<40x1024xf32, #tpu.memory_space<vmem>>) target(%dma_start3A_192 : memref<40x1024xf32, #tpu.memory_space<hbm>>) target_semaphore(%arg11 : memref<!tpu.dma_semaphore, #tpu.memory_space<semaphore_mem>>)
    %dma_wait3A_193 = arith.constant 0 : i32
    %dma_wait3A_194 = tpu.memref_slice %arg4[%add3A_177, %dma_wait3A_193] : memref<12800x1024xf32, #tpu.memory_space<hbm>> -> memref<40x1024xf32, #tpu.memory_space<hbm>>
    %dma_wait3A_195 = arith.constant 0 : i32
    %dma_wait3A_196 = tpu.memref_slice %arg4[%add3A_177, %dma_wait3A_195] : memref<12800x1024xf32, #tpu.memory_space<hbm>> -> memref<40x1024xf32, #tpu.memory_space<hbm>>
    tpu.wait_dma2 semaphore(%arg10 : memref<!tpu.dma_semaphore, #tpu.memory_space<semaphore_mem>>) src(%arg6 : memref<40x1024xf32, #tpu.memory_space<vmem>>) dst(%dma_wait3A_196 : memref<40x1024xf32, #tpu.memory_space<hbm>>)
    %dma_wait3A_197 = arith.constant 0 : i32
    %dma_wait3A_198 = tpu.memref_slice %arg4[%add3A_188, %dma_wait3A_197] : memref<12800x1024xf32, #tpu.memory_space<hbm>> -> memref<40x1024xf32, #tpu.memory_space<hbm>>
    %dma_wait3A_199 = arith.constant 0 : i32
    %dma_wait3A_200 = tpu.memref_slice %arg4[%add3A_188, %dma_wait3A_199] : memref<12800x1024xf32, #tpu.memory_space<hbm>> -> memref<40x1024xf32, #tpu.memory_space<hbm>>
    tpu.wait_dma2 semaphore(%arg11 : memref<!tpu.dma_semaphore, #tpu.memory_space<semaphore_mem>>) src(%arg7 : memref<40x1024xf32, #tpu.memory_space<vmem>>) dst(%dma_wait3A_200 : memref<40x1024xf32, #tpu.memory_space<hbm>>)
    return
  }
}

</mosaic_0001>

<sc_bundles>
// kernel: kernel.3.cloned.1.call-start
scs
__scs_entry_jumppad:
0x0: {  	(pc) =	sbr.rel $0x88, $3  }
0x1: {  	(tag) =	ssettag $0x0;
	lr =	simm.s32 $0x1  }
0x2: {  	[smem:$0x3F9E] =	sst lr;
	_ =	strace $0xD0000000  }
0x3: {  	_ = 	snop  }
0x4: {  	_ = 	snop  }
0x5: {  	_ = 	snop  }
0x6: {  	_ = 	snop  }
0x7: {  	_ = 	snop  }
__scs_overlays_trampoline_lowered:
0x8: {  	[smem:$0x3FAD] =	sst s0  }
0x9: {  	[smem:$0x3FAE] =	sst s1  }
0xa: {  	[smem:$0x3FAF] =	sst s2  }
0xb: {  	[smem:$0x3FB0] =	sst s3  }
0xc: {  	[smem:$0x3FB1] =	sst s4  }
0xd: {  	[smem:$0x3FB2] =	sst s5  }
0xe: {  	[smem:$0x3FB3] =	sst s6  }
0xf: {  	[smem:$0x3FB4] =	sst s7  }
0x10: {  	[smem:$0x3FB5] =	sst s8  }
0x11: {  	[smem:$0x3FB6] =	sst s9;
	s0 =	simm.s32 @!p0 $0x0  }
0x12: {  	s1 =	sld [smem:$0x3F9C];
	s0 =	simm.s32 @p0 $0x1  }
0x13: {  	[smem:$0x3FB7] =	sst s0;
	s0 =	simm.s32 @!p1 $0x0  }
0x14: {  	s2 =	sld [smem:$0x3F9B];
	s0 =	simm.s32 @p1 $0x1  }
0x15: {  	[smem:$0x3FB8] =	sst s0;
	s0 =	simm.s32 @!p2 $0x0  }
0x16: {  	s3 =	sld [smem:$0x3FDB];
	s0 =	simm.s32 @p2 $0x1  }
0x17: {  	s4 =	simm.s32 $0x1BF5;
	[smem:$0x3FBA] =	sst s0  }
0x18: {  	s0 =	sld [smem:$0x3F9D];
	_ =	swait.ge [sflag:s4], $0x0  }
0x19: {  	s7 =	sld [smem:$0x3F9E]  }
0x1a: {  	s8 =	sadd.s32 $0xFFFFE003, lr  }
0x1b: {  	s9 =	sadd.s32 $0xFFFFFEF7, lr;
	s5 =	simm.s32 $0xFFFFFFFF;
	p2 =	slt.u32 s8, $0xFFFFF086  }
0x1c: {  	p1 =	slt.u32 s9, $0xF7A;
	s5 =	simm.s32 @!p2 $0x0  }
0x1d: {  	s5 =	simm.s32 @p1 $0x1;
	p0 =	seq.s32 s7, s2  }
0x1e: {  	s7 =	smul.u32 @!p0 $0xF7A, s2;
	p2 =	seq.s32 @!p0 s5, $0x0  }
0x1f: {  	s9 =	smul.u32 $0xF7A, s1;
	s8 =	simm.s32 @!p0 $0x1BF5;
	p2 =	por !p2, p0  }
0x20: {  	[sflag:s8] =	ssyncset.s32 @!p0 $0xFFFFF086;
	s6 =	sadd.s32 @!p0 s3, s7;
	s7 =	simm.s32 @!p0 $0x108  }
0x21: {  	s3 =	sadd.s32 s3, s9;
	s6 =	sadd.s32 @!p0 $0x88, s6;
	s7 =	simm.s32 @p2 $0x1082  }
0x22: {  	[simem:s7], [sflag:s8] =	dma.local @!p0 [hbm:s6], $0xF7A  }
0x23: {  	s9 =	sor.u32 $0xD0000000, s2;
	s6 =	simm.s32 $0x108;
	_ =	swait.ge @!p0 [sflag:s8], $0x0  }
0x24: {  	s3 =	sadd.s32 $0x88, s3;
	s6 =	simm.s32 @!p1 $0x1082;
	[sflag:s4] =	ssyncset.s32 $0xFFFFF086  }
0x25: {  	[simem:s6], [sflag:s4] =	dma.local [hbm:s3], $0xF7A  }
0x26: {  	[smem:$0x3F9E] =	sst s1;
	(tag) =	ssettag s2;
	_ =	strace s9  }
0x27: {  	s1 =	sld [smem:$0x3FAE]  }
0x28: {  	s2 =	sld [smem:$0x3FAF]  }
0x29: {  	s4 =	sld [smem:$0x3FB1]  }
0x2a: {  	p0 =	seq.s32 s5, $0x0;
	s5 =	sld [smem:$0x3FB2]  }
0x2b: {  	s6 =	sld [smem:$0x3FB3]  }
0x2c: {  	s7 =	sld [smem:$0x3FB4]  }
0x2d: {  	s3 =	simm.s32 $0x108;
	s8 =	sld [smem:$0x3FB5]  }
0x2e: {  	s3 =	simm.s32 @!p0 $0x1082;
	s9 =	sld [smem:$0x3FB6]  }
0x2f: {  	lr =	sadd.s32 s0, s3;
	s0 =	sld [smem:$0x3FAD]  }
0x30: {  	s3 =	sld [smem:$0x3FB0]  }
0x31: {  	[smem:$0x3FB9] =	sst s10  }
0x32: {  	s10 =	sld [smem:$0x3FB7];
	_ =	sdelay $0x3  }
0x33: {  	p0 =	seq.s32 s10, $0x1;
	s10 =	sld [smem:$0x3FB9];
	_ =	sdelay $0x3  }
0x34: {  	[smem:$0x3FB9] =	sst s10  }
0x35: {  	s10 =	sld [smem:$0x3FB8];
	_ =	sdelay $0x3  }
0x36: {  	p1 =	seq.s32 s10, $0x1;
	s10 =	sld [smem:$0x3FB9];
	_ =	sdelay $0x3  }
0x37: {  	[smem:$0x3FB9] =	sst s10  }
0x38: {  	s10 =	sld [smem:$0x3FBA]  }
0x39: {  	_ = 	snop;
	(pc) =	sbr.ind lr, $3  }
0x3a: {  	_ = 	snop  }
0x3b: {  	_ = 	snop  }
0x3c: {  	p2 =	seq.s32 s10, $0x1;
	s10 =	sld [smem:$0x3FB9]  }
0x3d: {  	_ =	shalt  }
0x3e: {  	_ =	shalt  }
0x3f: {  	_ =	shalt  }
0x40: {  	_ =	shalt  }
0x41: {  	_ =	shalt  }
0x42: {  	_ =	shalt  }
0x43: {  	_ =	shalt  }
0x44: {  	_ =	shalt  }
0x45: {  	_ =	shalt  }
0x46: {  	_ =	shalt  }
0x47: {  	_ =	shalt  }
0x48: {  	_ =	shalt  }
0x49: {  	_ =	shalt  }
0x4a: {  	_ =	shalt  }
0x4b: {  	_ =	shalt  }
0x4c: {  	_ =	shalt  }
0x4d: {  	_ =	shalt  }
0x4e: {  	_ =	shalt  }
0x4f: {  	_ =	shalt  }
0x50: {  	_ =	shalt  }
0x51: {  	_ =	shalt  }
0x52: {  	_ =	shalt  }
0x53: {  	_ =	shalt  }
0x54: {  	_ =	shalt  }
0x55: {  	_ =	shalt  }
0x56: {  	_ =	shalt  }
0x57: {  	_ =	shalt  }
0x58: {  	_ =	shalt  }
0x59: {  	_ =	shalt  }
0x5a: {  	_ =	shalt  }
0x5b: {  	_ =	shalt  }
0x5c: {  	_ =	shalt  }
0x5d: {  	_ =	shalt  }
0x5e: {  	_ =	shalt  }
0x5f: {  	_ =	shalt  }
0x60: {  	_ =	shalt  }
0x61: {  	_ =	shalt  }
0x62: {  	_ =	shalt  }
0x63: {  	_ =	shalt  }
0x64: {  	_ =	shalt  }
0x65: {  	_ =	shalt  }
0x66: {  	_ =	shalt  }
0x67: {  	_ =	shalt  }
0x68: {  	_ =	shalt  }
0x69: {  	_ =	shalt  }
0x6a: {  	_ =	shalt  }
0x6b: {  	_ =	shalt  }
0x6c: {  	_ =	shalt  }
0x6d: {  	_ =	shalt  }
0x6e: {  	_ =	shalt  }
0x6f: {  	_ =	shalt  }
0x70: {  	_ =	shalt  }
0x71: {  	_ =	shalt  }
0x72: {  	_ =	shalt  }
0x73: {  	_ =	shalt  }
0x74: {  	_ =	shalt  }
0x75: {  	_ =	shalt  }
0x76: {  	_ =	shalt  }
0x77: {  	_ =	shalt  }
0x78: {  	_ =	shalt  }
0x79: {  	_ =	shalt  }
0x7a: {  	_ =	shalt  }
0x7b: {  	_ =	shalt  }
0x7c: {  	_ =	shalt  }
0x7d: {  	_ =	shalt  }
0x7e: {  	_ =	shalt  }
0x7f: {  	_ =	shalt  }
0x80: {  	_ =	shalt  }
0x81: {  	_ =	shalt  }
0x82: {  	_ =	shalt  }
0x83: {  	_ =	shalt  }
0x84: {  	_ =	shalt  }
0x85: {  	_ =	shalt  }
0x86: {  	_ =	shalt  }
0x87: {  	_ =	shalt  }
.Lfunc_end0:
.L_simem_size_0:
called_computation_lowered:
.L_overlay_start_0:
0x88: {  	s2 =	sld [smem:$0x3FD9]  }
0x89: {  	s3 =	sld [smem:$0x3FFE];
	_ =	sdelay $0x1  }
0x8a: {  	s1 =	srdreg.scid  }
0x8b: {  	s0 =	sand.u32 $0x1, s1  }
0x8c: {  	s14 =	sshll.u32 s0, $0xA;
	s2 =	sadd.s32 s3, s2  }
0x8d: {  	s2 =	sadd.s32 s2, s14  }
0x8e: {  	[smem:$0x3FC5] =	sst s2  }
0x8f: {  	_ = 	snop  }
0x90: {  	s2 =	sld [smem:$0x3FD0];
	_ =	sdelay $0x2  }
0x91: {  	s15 =	simm.s32 $0xA;
	s4 =	simm.s32 $0x10  }
0x92: {  	[smem:s4], [sflag:s15] =	dma.local [hbm:s2], $0x1  }
0x93: {  	_ =	swait.eq [sflag:s15], $0x1  }
0x94: {  	[sflag:s15] =	ssyncset.done $0x0  }
0x95: {  	[sflag:s15] =	ssyncadd.s32 $0xFFFFFFFF  }
0x96: {  	s16 =	sld [smem:$0x10];
	(tm) =	ssettm $0x1  }
0x97: {  	s17 =	sld [smem:$0x3FFB];
	_ =	sdelay $0x3  }
0x98: {  	_ =	strace s17  }
0x99: {  	s3 =	sld [smem:$0x3FFC];
	_ =	sdelay $0x3  }
0x9a: {  	_ =	strace s3  }
0x9b: {  	s3 =	sld [smem:$0x3FFD];
	_ =	sdelay $0x3  }
0x9c: {  	_ =	strace s3  }
0x9d: {  	_ =	strace $0x8FFFFFFF  }
0x9e: {  	s18 =	sld [smem:$0x3FDB];
	_ =	sdelay $0x1  }
0x9f: {  	s19 =	simm.s32 $_scs_section_size  }
0xa0: {  	s5 =	simm.s32 $_size__tile_overlayer_lowered;
	s6 =	simm.s32 $_tile_overlayer_lowered  }
0xa1: {  	s22 =	simm.s32 $0x1BFF;
	s21 =	sshll.u32 s6, $0x1;
	s3 =	sadd.s32 s19, s18  }
0xa2: {  	s7 =	simm.s32 $0x0;
	s20 =	sshll.u32 s5, $0x1;
	s5 =	sadd.s32 s21, s3  }
0xa3: {  	[timem:s7], [sflag:s22] =	dma.local [hbm:s5], s20  }
0xa4: {  	_ =	swait.ge [sflag:s22], s20  }
0xa5: {  	s4 =	ssub.s32 $0x0, s20;
	[sflag:s22] =	ssyncset.done $0x0  }
0xa6: {  	[sflag:s22] =	ssyncadd.s32 s4;
	_ =	sdelay $0x1  }
0xa7: {  	s23 =	simm.s32 $0x1B8B  }
0xa8: {  	_ =	swait.ge [sflag:s23], $0x1  }
0xa9: {  	[sflag:s23] =	ssyncset.done $0x0  }
0xaa: {  	s25 =	simm.s32 $0x1B8E;
	s24 =	sld [smem:$0x3FFE];
	[sflag:s23] =	ssyncadd.s32 $0xFFFFFFFF  }
0xab: {  	s26 =	simm.s32 $execute0_lowered;
	[smem:$0x3FD2] =	sst s25  }
0xac: {  	s5 =	sshll.u32 s26, $0x1;
	_ =	strace $0x80000046;
	[dreg:$0x1] =	wrdreg $0xFFFFFFFF  }
0xad: {  	s28 =	simm.s32 $_size_execute0_lowered;
	s3 =	sadd.s32 s3, s5;
	[dreg:$0x0] =	wrdreg $0x0  }
0xae: {  	s5 =	sshll.u32 s28, $0x1;
	[dreg:$0x2] =	wrdreg s3  }
0xaf: {  	[dreg:$0x3] =	wrdreg s5  }
0xb0: {  	[dreg:$0x4] =	wrdreg $0xC0  }
0xb1: {  	_ =	task [dreg:s7], $0x5FFFF  }
0xb2: {  	[dreg:$0x1] =	wrdreg $0xFFFFFFFF  }
0xb3: {  	[dreg:$0x0] =	wrdreg $0x60  }
0xb4: {  	[dreg:$0x2] =	wrdreg s24  }
0xb5: {  	[dreg:$0x3] =	wrdreg s16  }
0xb6: {  	[dreg:$0x4] =	wrdreg $0x9  }
0xb7: {  	_ =	task.clear_ibuf [dreg:s7], $0x5FFFF;
	_ =	strace $0x90000046  }
0xb8: {  	s29 =	simm.s32 $0x9;
	_ =	strace $0x80000048  }
0xb9: {  	_ =	swait.ge [sflag:s29], $0x1  }
0xba: {  	[sflag:s29] =	ssyncadd.s32 $0xFFFFFFFF  }
0xbb: {  	_ =	strace $0x90000048  }
0xbc: {  	_ =	sfence  }
0xbd: {  	s30 =	sld [smem:$0x0];
	_ =	sdelay $0x2  }
0xbe: {  	s31 =	sshll.u32 s1, $0xD;
	s1 =	sshrl.u32 s1, $0x2  }
0xbf: {  	s3 =	sand.u32 $0x4000, s31;
	s1 =	sadd.s32 s1, s30  }
0xc0: {  	s0 =	sor.u32 s3, s0;
	s1 =	sshll.u32 s1, $0x11  }
0xc1: {  	s0 =	sor.u32 s1, s0  }
0xc2: {  	s0 =	sadd.s32 $0x8F2B, s0  }
0xc3: {  	[sflag:s0] =	ssyncadd.remote.s32 $0x1  }
0xc4: {  	_ =	sfence.sel $0xFFFF  }
0xc5: {  	[dreg:$0x0] =	wrdreg $0xFFFFFFFF;
	(pc) =	sbr.abs _section_cstart, $3  }
0xc6: {  	[dreg:$0x1] =	wrdreg $0xFFFFFFFF  }
0xc7: {  	_ =	task.clear_ibuf [dreg:s7], $0x2FFFF;
	_ =	strace $0x9FFFFFFF  }
0xc8: {  	(tm) =	ssettm $0x7FFFFFFF  }
0xc9: {  	_ =	shalt  }
tec
execute0_lowered:
.L_overlay_start_1:
0x0: {  	(tag) =	ssettag $0x1  }
0x1: {  	s0 =	srdreg.scid;
	s1 =	stileid.u32  }
0x2: {  	s0 =	sand.u32 $0x1, s0;
	s1 =	sshll.u32 s1, $0x1  }
0x3: {  	s1 =	sor.u32 s0, s1  }
0x4: {  	s6 =	rddreg [dreg:$0x0];
	s4 =	smul.u32 $0x32, s1  }
0x5: {  	s3 =	rddreg [dreg:$0x1];
	s2 =	simm.s32 $0x0;
	s5 =	smul.u32 $0x64000, s1  }
0x6: {  	s10 =	simm.s32 $0x200;
	[smem:$0x7FF] =	sst s2;
	s1 =	smul.u32 $0xC800, s1  }
0x7: {  	s30 =	simm.s32 $0xA200;
	s28 =	simm.s32 $0x2;
	_ =	strace $0x80000047  }
0x8: {  	s4 =	sadd.s32 s4, s6;
	s5 =	sshrl.u32 s5, $0x3;
	s1 =	sadd.s32 s3, s1  }
0x9: {  	s4 =	sadd.s32 $0x800, s4;
	s7 =	sadd.s32 s3, s5;
	[dreg:$0x4] =	wrdreg s1  }
0xa: {  	s29 =	simm.s32 $0x4;
	[dreg:$0x3] =	wrdreg s4;
	s18 =	sadd.s32 $0x1400, s7  }
0xb: {  	s0 =	ssub.s32 $0x2, s0;
	s19 =	sadd.s32 $0x2800, s7;
	[dreg:$0x5] =	wrdreg s18  }
0xc: {  	s23 =	sshrl.u32 s0, $0x1;
	s20 =	sadd.s32 $0x3C00, s7;
	[dreg:$0x6] =	wrdreg s19  }
0xd: {  	s0 =	ssub.s32 s0, s23;
	s21 =	sadd.s32 $0x5000, s7;
	[dreg:$0x7] =	wrdreg s20  }
0xe: {  	s3 =	sadd.s32 $0x1000, s6;
	s22 =	sadd.s32 $0x6400, s7;
	[dreg:$0x8] =	wrdreg s21  }
0xf: {  	s5 =	sadd.s32 $0x1200, s6;
	s24 =	sadd.s32 $0x7800, s7;
	[dreg:$0x9] =	wrdreg s22  }
0x10: {  	s25 =	sadd.s32 $0x8C00, s7;
	s4 =	sadd.s32 $0x1100, s6;
	[dreg:$0xa] =	wrdreg s24  }
0x11: {  	v2 =	vlaneseq.u32;
	s26 =	sadd.s32 $0xA000, s7;
	s31 =	sadd.s32 $0xB400, s7;
	[dreg:$0xb] =	wrdreg s25  }
0x12: {  	vm0 =	vmmov $0xffff;
	v1 =	vshrl.u32 v2, $0x3;
	s6 =	sadd.s32 $0x1300, s6;
	s7 =	smax.u32 s0, $0x1;
	[dreg:$0xc] =	wrdreg s26  }
0x13: {  	v0 =	vand.u32 $0x7, v2;
	v2 =	vor.u32 $0x8, v2;
	v1 =	vmul.u32 $0x8, v1;
	[dreg:$0xd] =	wrdreg s31;
	s25 =	simm.s32 $0x1;
	s26 =	simm.s32 $0x3  }
.LBB2_1:
0x14: {  	s31 =	rddreg [dreg:$0x3];
	s23 =	simm.s32 $0x5  }
0x15: {  	[tilespmem:s2], [sflag:$0x5] =	stream.linear.gather [hbm4b:s31+s2], $0x190, $0x38;
	[tilespmem:$0x14200] =	vst v63  }
0x16: {  	_ =	swait.ge [sflag:s23], $0x190  }
0x17: {  	[sflag:s23] =	ssyncset.done $0x0  }
0x18: {  	[sflag:s23] =	ssyncadd.s32 $0xFFFFFE70  }
0x19: {  	v3 =	vld [tilespmem:$0x0];
	_ =	sdelay $0x4  }
0x1a: {  	v4 =	vshll.u32 v3, $0x3  }
0x1b: {  	v3 =	vand.u32 $0x7, v3;
	v4 =	vand.u32 $0xFFFFFFC0, v4  }
0x1c: {  	v3 =	vor.u32 v3, v4  }
0x1d: {  	v4 =	vperm.xlane v3, v0;
	_ =	sdelay $0x1  }
0x1e: {  	v4 =	vadd.s32 v1, v4;
	_ =	sdelay $0x4  }
0x1f: {  	[tilespmem:s10], [sflag:$0x1] =	stream.indirect_vreg.gather [hbm4b:s3+s2], $0x80, v4, vm0, $0xb8;
	[tilespmem:$0x14200] =	vst v63  }
0x20: {  	s0 =	simm.s32 $0xA00;
	v3 =	vperm.xlane v3, v2  }
0x21: {  	[tilespmem:s0], [sflag:$0x1] =	stream.indirect_vreg.gather [hbm4b:s4+s2], $0x80, v4, vm0, $0xb8;
	[tilespmem:$0x14200] =	vst v63  }
0x22: {  	s24 =	simm.s32 $0x1200;
	v3 =	vadd.s32 v1, v3  }
0x23: {  	[tilespmem:s24], [sflag:$0x1] =	stream.indirect_vreg.gather [hbm4b:s5+s2], $0x80, v4, vm0, $0xb8;
	[tilespmem:$0x14200] =	vst v63  }
0x24: {  	s31 =	simm.s32 $0x1A00  }
0x25: {  	[tilespmem:s31], [sflag:$0x1] =	stream.indirect_vreg.gather [hbm4b:s6+s2], $0x80, v4, vm0, $0xb8;
	[tilespmem:$0x14200] =	vst v63  }
0x26: {  	s8 =	simm.s32 $0x2200  }
0x27: {  	[tilespmem:s8], [sflag:$0x1] =	stream.indirect_vreg.gather [hbm4b:s3+s2], $0x80, v3, vm0, $0xb8;
	[tilespmem:$0x14200] =	vst v63  }
0x28: {  	s9 =	simm.s32 $0x2A00  }
0x29: {  	[tilespmem:s9], [sflag:$0x1] =	stream.indirect_vreg.gather [hbm4b:s4+s2], $0x80, v3, vm0, $0xb8;
	[tilespmem:$0x14200] =	vst v63  }
0x2a: {  	s11 =	simm.s32 $0x3200  }
0x2b: {  	[tilespmem:s11], [sflag:$0x1] =	stream.indirect_vreg.gather [hbm4b:s5+s2], $0x80, v3, vm0, $0xb8;
	[tilespmem:$0x14200] =	vst v63  }
0x2c: {  	s12 =	simm.s32 $0x3A00  }
0x2d: {  	[tilespmem:s12], [sflag:$0x1] =	stream.indirect_vreg.gather [hbm4b:s6+s2], $0x80, v3, vm0, $0xb8;
	[tilespmem:$0x14200] =	vst v63  }
0x2e: {  	v3 =	vld [tilespmem:$0x10];
	_ =	sdelay $0x4  }
0x2f: {  	v35 =	vshll.u32 v3, $0x3  }
0x30: {  	v3 =	vand.u32 $0x7, v3;
	v4 =	vand.u32 $0xFFFFFFC0, v35  }
0x31: {  	v3 =	vor.u32 v3, v4  }
0x32: {  	v4 =	vperm.xlane v3, v0;
	_ =	sdelay $0x1  }
0x33: {  	v4 =	vadd.s32 v1, v4;
	_ =	sdelay $0x3  }
0x34: {  	s13 =	simm.s32 $0x4200  }
0x35: {  	[tilespmem:s13], [sflag:$0x1] =	stream.indirect_vreg.gather [hbm4b:s3+s2], $0x80, v4, vm0, $0xb8;
	[tilespmem:$0x14200] =	vst v63  }
0x36: {  	s14 =	simm.s32 $0x4A00;
	v3 =	vperm.xlane v3, v2  }
0x37: {  	[tilespmem:s14], [sflag:$0x1] =	stream.indirect_vreg.gather [hbm4b:s4+s2], $0x80, v4, vm0, $0xb8;
	[tilespmem:$0x14200] =	vst v63  }
0x38: {  	s15 =	simm.s32 $0x5200;
	v3 =	vadd.s32 v1, v3  }
0x39: {  	[tilespmem:s15], [sflag:$0x1] =	stream.indirect_vreg.gather [hbm4b:s5+s2], $0x80, v4, vm0, $0xb8;
	[tilespmem:$0x14200] =	vst v63  }
0x3a: {  	s16 =	simm.s32 $0x5A00  }
0x3b: {  	[tilespmem:s16], [sflag:$0x1] =	stream.indirect_vreg.gather [hbm4b:s6+s2], $0x80, v4, vm0, $0xb8;
	[tilespmem:$0x14200] =	vst v63  }
0x3c: {  	s20 =	simm.s32 $0x6200  }
0x3d: {  	[tilespmem:s20], [sflag:$0x1] =	stream.indirect_vreg.gather [hbm4b:s3+s2], $0x80, v3, vm0, $0xb8;
	[tilespmem:$0x14200] =	vst v63  }
0x3e: {  	s21 =	simm.s32 $0x6A00  }
0x3f: {  	[tilespmem:s21], [sflag:$0x1] =	stream.indirect_vreg.gather [hbm4b:s4+s2], $0x80, v3, vm0, $0xb8;
	[tilespmem:$0x14200] =	vst v63  }
0x40: {  	s22 =	simm.s32 $0x7200  }
0x41: {  	[tilespmem:s22], [sflag:$0x1] =	stream.indirect_vreg.gather [hbm4b:s5+s2], $0x80, v3, vm0, $0xb8;
	[tilespmem:$0x14200] =	vst v63  }
0x42: {  	s23 =	simm.s32 $0x7A00  }
0x43: {  	[tilespmem:s23], [sflag:$0x1] =	stream.indirect_vreg.gather [hbm4b:s6+s2], $0x80, v3, vm0, $0xb8;
	[tilespmem:$0x14200] =	vst v63  }
0x44: {  	v3 =	vld.msk [tilespmem:$0x20], $0xff;
	_ =	sdelay $0x4  }
0x45: {  	v36 =	vshll.u32 v3, $0x3  }
0x46: {  	v3 =	vand.u32 $0x7, v3;
	v4 =	vand.u32 $0xFFFFFFC0, v36  }
0x47: {  	v3 =	vor.u32 v3, v4  }
0x48: {  	v3 =	vperm.xlane v3, v0;
	_ =	sdelay $0x1  }
0x49: {  	v3 =	vadd.s32 v1, v3;
	_ =	sdelay $0x3  }
0x4a: {  	s24 =	simm.s32 $0x8200  }
0x4b: {  	[tilespmem:s24], [sflag:$0x1] =	stream.indirect_vreg.gather [hbm4b:s3+s2], $0x80, v3, vm0, $0xb8;
	[tilespmem:$0x14200] =	vst v63  }
0x4c: {  	s31 =	simm.s32 $0x8A00  }
0x4d: {  	[tilespmem:s31], [sflag:$0x1] =	stream.indirect_vreg.gather [hbm4b:s4+s2], $0x80, v3, vm0, $0xb8;
	[tilespmem:$0x14200] =	vst v63  }
0x4e: {  	s8 =	simm.s32 $0x9200  }
0x4f: {  	[tilespmem:s8], [sflag:$0x1] =	stream.indirect_vreg.gather [hbm4b:s5+s2], $0x80, v3, vm0, $0xb8;
	[tilespmem:$0x14200] =	vst v63  }
0x50: {  	s9 =	simm.s32 $0x9A00  }
0x51: {  	[tilespmem:s9], [sflag:$0x1] =	stream.indirect_vreg.gather [hbm4b:s6+s2], $0x80, v3, vm0, $0xb8;
	[tilespmem:$0x14200] =	vst v63  }
0x52: {  	v3 =	vld [tilespmem:$0x28];
	_ =	sdelay $0x4  }
0x53: {  	v37 =	vshll.u32 v3, $0x3  }
0x54: {  	v3 =	vand.u32 $0x7, v3;
	v4 =	vand.u32 $0xFFFFFFC0, v37  }
0x55: {  	v3 =	vor.u32 v3, v4  }
0x56: {  	v4 =	vperm.xlane v3, v0;
	_ =	sdelay $0x1  }
0x57: {  	v4 =	vadd.s32 v1, v4;
	_ =	sdelay $0x4  }
0x58: {  	[tilespmem:s30], [sflag:$0x2] =	stream.indirect_vreg.gather [hbm4b:s3+s2], $0x80, v4, vm0, $0xb8;
	[tilespmem:$0x14200] =	vst v63  }
0x59: {  	s11 =	simm.s32 $0xAA00;
	v3 =	vperm.xlane v3, v2  }
0x5a: {  	[tilespmem:s11], [sflag:$0x2] =	stream.indirect_vreg.gather [hbm4b:s4+s2], $0x80, v4, vm0, $0xb8;
	[tilespmem:$0x14200] =	vst v63  }
0x5b: {  	s12 =	simm.s32 $0xB200;
	v3 =	vadd.s32 v1, v3  }
0x5c: {  	[tilespmem:s12], [sflag:$0x2] =	stream.indirect_vreg.gather [hbm4b:s5+s2], $0x80, v4, vm0, $0xb8;
	[tilespmem:$0x14200] =	vst v63  }
0x5d: {  	s14 =	simm.s32 $0xBA00  }
0x5e: {  	[tilespmem:s14], [sflag:$0x2] =	stream.indirect_vreg.gather [hbm4b:s6+s2], $0x80, v4, vm0, $0xb8;
	[tilespmem:$0x14200] =	vst v63  }
0x5f: {  	s15 =	simm.s32 $0xC200  }
0x60: {  	[tilespmem:s15], [sflag:$0x2] =	stream.indirect_vreg.gather [hbm4b:s3+s2], $0x80, v3, vm0, $0xb8;
	[tilespmem:$0x14200] =	vst v63  }
0x61: {  	s16 =	simm.s32 $0xCA00  }
0x62: {  	[tilespmem:s16], [sflag:$0x2] =	stream.indirect_vreg.gather [hbm4b:s4+s2], $0x80, v3, vm0, $0xb8;
	[tilespmem:$0x14200] =	vst v63  }
0x63: {  	s20 =	simm.s32 $0xD200  }
0x64: {  	[tilespmem:s20], [sflag:$0x2] =	stream.indirect_vreg.gather [hbm4b:s5+s2], $0x80, v3, vm0, $0xb8;
	[tilespmem:$0x14200] =	vst v63  }
0x65: {  	s21 =	simm.s32 $0xDA00  }
0x66: {  	[tilespmem:s21], [sflag:$0x2] =	stream.indirect_vreg.gather [hbm4b:s6+s2], $0x80, v3, vm0, $0xb8;
	[tilespmem:$0x14200] =	vst v63  }
0x67: {  	v3 =	vld [tilespmem:$0x38];
	_ =	sdelay $0x4  }
0x68: {  	v38 =	vshll.u32 v3, $0x3  }
0x69: {  	v3 =	vand.u32 $0x7, v3;
	v4 =	vand.u32 $0xFFFFFFC0, v38  }
0x6a: {  	v3 =	vor.u32 v3, v4  }
0x6b: {  	v4 =	vperm.xlane v3, v0;
	_ =	sdelay $0x1  }
0x6c: {  	v4 =	vadd.s32 v1, v4;
	_ =	sdelay $0x3  }
0x6d: {  	s23 =	simm.s32 $0xE200  }
0x6e: {  	[tilespmem:s23], [sflag:$0x2] =	stream.indirect_vreg.gather [hbm4b:s3+s2], $0x80, v4, vm0, $0xb8;
	[tilespmem:$0x14200] =	vst v63  }
0x6f: {  	s24 =	simm.s32 $0xEA00;
	v3 =	vperm.xlane v3, v2  }
0x70: {  	[tilespmem:s24], [sflag:$0x2] =	stream.indirect_vreg.gather [hbm4b:s4+s2], $0x80, v4, vm0, $0xb8;
	[tilespmem:$0x14200] =	vst v63  }
0x71: {  	s0 =	simm.s32 $0xF200;
	v3 =	vadd.s32 v1, v3  }
0x72: {  	[tilespmem:s0], [sflag:$0x2] =	stream.indirect_vreg.gather [hbm4b:s5+s2], $0x80, v4, vm0, $0xb8;
	[tilespmem:$0x14200] =	vst v63  }
0x73: {  	s9 =	simm.s32 $0xFA00  }
0x74: {  	[tilespmem:s9], [sflag:$0x2] =	stream.indirect_vreg.gather [hbm4b:s6+s2], $0x80, v4, vm0, $0xb8;
	[tilespmem:$0x14200] =	vst v63  }
0x75: {  	s11 =	simm.s32 $0x10200  }
0x76: {  	[tilespmem:s11], [sflag:$0x2] =	stream.indirect_vreg.gather [hbm4b:s3+s2], $0x80, v3, vm0, $0xb8;
	[tilespmem:$0x14200] =	vst v63  }
0x77: {  	s12 =	simm.s32 $0x10A00  }
0x78: {  	[tilespmem:s12], [sflag:$0x2] =	stream.indirect_vreg.gather [hbm4b:s4+s2], $0x80, v3, vm0, $0xb8;
	[tilespmem:$0x14200] =	vst v63  }
0x79: {  	s15 =	simm.s32 $0x11200  }
0x7a: {  	[tilespmem:s15], [sflag:$0x2] =	stream.indirect_vreg.gather [hbm4b:s5+s2], $0x80, v3, vm0, $0xb8;
	[tilespmem:$0x14200] =	vst v63  }
0x7b: {  	s16 =	simm.s32 $0x11A00  }
0x7c: {  	[tilespmem:s16], [sflag:$0x2] =	stream.indirect_vreg.gather [hbm4b:s6+s2], $0x80, v3, vm0, $0xb8;
	[tilespmem:$0x14200] =	vst v63  }
0x7d: {  	v3 =	vld.msk [tilespmem:$0x48], $0xff;
	_ =	sdelay $0x4  }
0x7e: {  	v39 =	vshll.u32 v3, $0x3  }
0x7f: {  	v3 =	vand.u32 $0x7, v3;
	v4 =	vand.u32 $0xFFFFFFC0, v39  }
0x80: {  	v3 =	vor.u32 v3, v4  }
0x81: {  	v3 =	vperm.xlane v3, v0;
	_ =	sdelay $0x1  }
0x82: {  	v3 =	vadd.s32 v1, v3;
	_ =	sdelay $0x3  }
0x83: {  	s20 =	simm.s32 $0x12200  }
0x84: {  	[tilespmem:s20], [sflag:$0x2] =	stream.indirect_vreg.gather [hbm4b:s3+s2], $0x80, v3, vm0, $0xb8;
	[tilespmem:$0x14200] =	vst v63  }
0x85: {  	s21 =	simm.s32 $0x12A00  }
0x86: {  	[tilespmem:s21], [sflag:$0x2] =	stream.indirect_vreg.gather [hbm4b:s4+s2], $0x80, v3, vm0, $0xb8;
	[tilespmem:$0x14200] =	vst v63  }
0x87: {  	s23 =	simm.s32 $0x13200  }
0x88: {  	[tilespmem:s23], [sflag:$0x2] =	stream.indirect_vreg.gather [hbm4b:s5+s2], $0x80, v3, vm0, $0xb8;
	[tilespmem:$0x14200] =	vst v63  }
0x89: {  	s24 =	simm.s32 $0x13A00  }
0x8a: {  	[tilespmem:s24], [sflag:$0x2] =	stream.indirect_vreg.gather [hbm4b:s6+s2], $0x80, v3, vm0, $0xb8;
	[tilespmem:$0x14200] =	vst v63  }
0x8b: {  	_ =	swait.ge [sflag:s25], $0xA000  }
0x8c: {  	[sflag:s25] =	ssyncset.done $0x0  }
0x8d: {  	s0 =	rddreg [dreg:$0x4];
	[sflag:s25] =	ssyncadd.s32 $0xFFFF6000  }
0x8e: {  	[hbm4b:s0+s2] =	stream.linear.scatter [tilespmem:s10], [sflag:$0x3], $0xA000, $0x38;
	[tilespmem:$0x14200] =	vst v63  }
0x8f: {  	_ =	swait.ge [sflag:s26], $0xA000  }
0x90: {  	[sflag:s26] =	ssyncset.done $0x0  }
0x91: {  	[sflag:s26] =	ssyncadd.s32 $0xFFFF6000  }
0x92: {  	v3 =	vld [tilespmem:$0x50];
	_ =	sdelay $0x4  }
0x93: {  	v40 =	vshll.u32 v3, $0x3  }
0x94: {  	v3 =	vand.u32 $0x7, v3;
	v4 =	vand.u32 $0xFFFFFFC0, v40  }
0x95: {  	v3 =	vor.u32 v3, v4  }
0x96: {  	v4 =	vperm.xlane v3, v0;
	_ =	sdelay $0x1  }
0x97: {  	v4 =	vadd.s32 v1, v4;
	_ =	sdelay $0x4  }
0x98: {  	[tilespmem:s10], [sflag:$0x1] =	stream.indirect_vreg.gather [hbm4b:s3+s2], $0x80, v4, vm0, $0xb8;
	[tilespmem:$0x14200] =	vst v63  }
0x99: {  	s1 =	simm.s32 $0xA00;
	v3 =	vperm.xlane v3, v2  }
0x9a: {  	[tilespmem:s1], [sflag:$0x1] =	stream.indirect_vreg.gather [hbm4b:s4+s2], $0x80, v4, vm0, $0xb8;
	[tilespmem:$0x14200] =	vst v63  }
0x9b: {  	s0 =	simm.s32 $0x1200;
	v3 =	vadd.s32 v1, v3  }
0x9c: {  	[tilespmem:s0], [sflag:$0x1] =	stream.indirect_vreg.gather [hbm4b:s5+s2], $0x80, v4, vm0, $0xb8;
	[tilespmem:$0x14200] =	vst v63  }
0x9d: {  	s1 =	simm.s32 $0x1A00  }
0x9e: {  	[tilespmem:s1], [sflag:$0x1] =	stream.indirect_vreg.gather [hbm4b:s6+s2], $0x80, v4, vm0, $0xb8;
	[tilespmem:$0x14200] =	vst v63  }
0x9f: {  	s9 =	simm.s32 $0x2200  }
0xa0: {  	[tilespmem:s9], [sflag:$0x1] =	stream.indirect_vreg.gather [hbm4b:s3+s2], $0x80, v3, vm0, $0xb8;
	[tilespmem:$0x14200] =	vst v63  }
0xa1: {  	s15 =	simm.s32 $0x2A00  }
0xa2: {  	[tilespmem:s15], [sflag:$0x1] =	stream.indirect_vreg.gather [hbm4b:s4+s2], $0x80, v3, vm0, $0xb8;
	[tilespmem:$0x14200] =	vst v63  }
0xa3: {  	s16 =	simm.s32 $0x3200  }
0xa4: {  	[tilespmem:s16], [sflag:$0x1] =	stream.indirect_vreg.gather [hbm4b:s5+s2], $0x80, v3, vm0, $0xb8;
	[tilespmem:$0x14200] =	vst v63  }
0xa5: {  	s17 =	simm.s32 $0x3A00  }
0xa6: {  	[tilespmem:s17], [sflag:$0x1] =	stream.indirect_vreg.gather [hbm4b:s6+s2], $0x80, v3, vm0, $0xb8;
	[tilespmem:$0x14200] =	vst v63  }
0xa7: {  	v3 =	vld [tilespmem:$0x60];
	_ =	sdelay $0x4  }
0xa8: {  	v41 =	vshll.u32 v3, $0x3  }
0xa9: {  	v3 =	vand.u32 $0x7, v3;
	v4 =	vand.u32 $0xFFFFFFC0, v41  }
0xaa: {  	v3 =	vor.u32 v3, v4  }
0xab: {  	v4 =	vperm.xlane v3, v0;
	_ =	sdelay $0x1  }
0xac: {  	v4 =	vadd.s32 v1, v4;
	_ =	sdelay $0x3  }
0xad: {  	s18 =	simm.s32 $0x4200  }
0xae: {  	[tilespmem:s18], [sflag:$0x1] =	stream.indirect_vreg.gather [hbm4b:s3+s2], $0x80, v4, vm0, $0xb8;
	[tilespmem:$0x14200] =	vst v63  }
0xaf: {  	s19 =	simm.s32 $0x4A00;
	v3 =	vperm.xlane v3, v2  }
0xb0: {  	[tilespmem:s19], [sflag:$0x1] =	stream.indirect_vreg.gather [hbm4b:s4+s2], $0x80, v4, vm0, $0xb8;
	[tilespmem:$0x14200] =	vst v63  }
0xb1: {  	s17 =	simm.s32 $0x5200;
	v3 =	vadd.s32 v1, v3  }
0xb2: {  	[tilespmem:s17], [sflag:$0x1] =	stream.indirect_vreg.gather [hbm4b:s5+s2], $0x80, v4, vm0, $0xb8;
	[tilespmem:$0x14200] =	vst v63  }
0xb3: {  	s18 =	simm.s32 $0x5A00  }
0xb4: {  	[tilespmem:s18], [sflag:$0x1] =	stream.indirect_vreg.gather [hbm4b:s6+s2], $0x80, v4, vm0, $0xb8;
	[tilespmem:$0x14200] =	vst v63  }
0xb5: {  	s19 =	simm.s32 $0x6200  }
0xb6: {  	[tilespmem:s19], [sflag:$0x1] =	stream.indirect_vreg.gather [hbm4b:s3+s2], $0x80, v3, vm0, $0xb8;
	[tilespmem:$0x14200] =	vst v63  }
0xb7: {  	s20 =	simm.s32 $0x6A00  }
0xb8: {  	[tilespmem:s20], [sflag:$0x1] =	stream.indirect_vreg.gather [hbm4b:s4+s2], $0x80, v3, vm0, $0xb8;
	[tilespmem:$0x14200] =	vst v63  }
0xb9: {  	s21 =	simm.s32 $0x7200  }
0xba: {  	[tilespmem:s21], [sflag:$0x1] =	stream.indirect_vreg.gather [hbm4b:s5+s2], $0x80, v3, vm0, $0xb8;
	[tilespmem:$0x14200] =	vst v63  }
0xbb: {  	s22 =	simm.s32 $0x7A00  }
0xbc: {  	[tilespmem:s22], [sflag:$0x1] =	stream.indirect_vreg.gather [hbm4b:s6+s2], $0x80, v3, vm0, $0xb8;
	[tilespmem:$0x14200] =	vst v63  }
0xbd: {  	v3 =	vld.msk [tilespmem:$0x70], $0xff;
	_ =	sdelay $0x4  }
0xbe: {  	v42 =	vshll.u32 v3, $0x3  }
0xbf: {  	v3 =	vand.u32 $0x7, v3;
	v4 =	vand.u32 $0xFFFFFFC0, v42  }
0xc0: {  	v3 =	vor.u32 v3, v4  }
0xc1: {  	v3 =	vperm.xlane v3, v0;
	_ =	sdelay $0x1  }
0xc2: {  	v3 =	vadd.s32 v1, v3;
	_ =	sdelay $0x3  }
0xc3: {  	s22 =	simm.s32 $0x8200  }
0xc4: {  	[tilespmem:s22], [sflag:$0x1] =	stream.indirect_vreg.gather [hbm4b:s3+s2], $0x80, v3, vm0, $0xb8;
	[tilespmem:$0x14200] =	vst v63  }
0xc5: {  	s23 =	simm.s32 $0x8A00  }
0xc6: {  	[tilespmem:s23], [sflag:$0x1] =	stream.indirect_vreg.gather [hbm4b:s4+s2], $0x80, v3, vm0, $0xb8;
	[tilespmem:$0x14200] =	vst v63  }
0xc7: {  	s24 =	simm.s32 $0x9200  }
0xc8: {  	[tilespmem:s24], [sflag:$0x1] =	stream.indirect_vreg.gather [hbm4b:s5+s2], $0x80, v3, vm0, $0xb8;
	[tilespmem:$0x14200] =	vst v63  }
0xc9: {  	s8 =	simm.s32 $0x9A00  }
0xca: {  	[tilespmem:s8], [sflag:$0x1] =	stream.indirect_vreg.gather [hbm4b:s6+s2], $0x80, v3, vm0, $0xb8;
	[tilespmem:$0x14200] =	vst v63  }
0xcb: {  	_ =	swait.ge [sflag:s28], $0xA000  }
0xcc: {  	[sflag:s28] =	ssyncset.done $0x0  }
0xcd: {  	s8 =	rddreg [dreg:$0x5];
	[sflag:s28] =	ssyncadd.s32 $0xFFFF6000  }
0xce: {  	[hbm4b:s8+s2] =	stream.linear.scatter [tilespmem:s30], [sflag:$0x4], $0xA000, $0x38;
	[tilespmem:$0x14200] =	vst v63  }
0xcf: {  	_ =	swait.ge [sflag:s29], $0xA000  }
0xd0: {  	[sflag:s29] =	ssyncset.done $0x0  }
0xd1: {  	[sflag:s29] =	ssyncadd.s32 $0xFFFF6000  }
0xd2: {  	v3 =	vld [tilespmem:$0x78];
	_ =	sdelay $0x4  }
0xd3: {  	v43 =	vshll.u32 v3, $0x3  }
0xd4: {  	v3 =	vand.u32 $0x7, v3;
	v4 =	vand.u32 $0xFFFFFFC0, v43  }
0xd5: {  	v3 =	vor.u32 v3, v4  }
0xd6: {  	v4 =	vperm.xlane v3, v0;
	_ =	sdelay $0x1  }
0xd7: {  	v4 =	vadd.s32 v1, v4;
	_ =	sdelay $0x4  }
0xd8: {  	[tilespmem:s30], [sflag:$0x2] =	stream.indirect_vreg.gather [hbm4b:s3+s2], $0x80, v4, vm0, $0xb8;
	[tilespmem:$0x14200] =	vst v63  }
0xd9: {  	s13 =	simm.s32 $0xAA00;
	v3 =	vperm.xlane v3, v2  }
0xda: {  	[tilespmem:s13], [sflag:$0x2] =	stream.indirect_vreg.gather [hbm4b:s4+s2], $0x80, v4, vm0, $0xb8;
	[tilespmem:$0x14200] =	vst v63  }
0xdb: {  	v3 =	vadd.s32 v1, v3;
	s13 =	simm.s32 $0xB200  }
0xdc: {  	[tilespmem:s13], [sflag:$0x2] =	stream.indirect_vreg.gather [hbm4b:s5+s2], $0x80, v4, vm0, $0xb8;
	[tilespmem:$0x14200] =	vst v63  }
0xdd: {  	s31 =	simm.s32 $0xBA00  }
0xde: {  	[tilespmem:s31], [sflag:$0x2] =	stream.indirect_vreg.gather [hbm4b:s6+s2], $0x80, v4, vm0, $0xb8;
	[tilespmem:$0x14200] =	vst v63  }
0xdf: {  	s31 =	simm.s32 $0xC200  }
0xe0: {  	[tilespmem:s31], [sflag:$0x2] =	stream.indirect_vreg.gather [hbm4b:s3+s2], $0x80, v3, vm0, $0xb8;
	[tilespmem:$0x14200] =	vst v63  }
0xe1: {  	s31 =	simm.s32 $0xCA00  }
0xe2: {  	[tilespmem:s31], [sflag:$0x2] =	stream.indirect_vreg.gather [hbm4b:s4+s2], $0x80, v3, vm0, $0xb8;
	[tilespmem:$0x14200] =	vst v63  }
0xe3: {  	s31 =	simm.s32 $0xD200  }
0xe4: {  	[tilespmem:s31], [sflag:$0x2] =	stream.indirect_vreg.gather [hbm4b:s5+s2], $0x80, v3, vm0, $0xb8;
	[tilespmem:$0x14200] =	vst v63  }
0xe5: {  	s14 =	simm.s32 $0xDA00  }
0xe6: {  	[tilespmem:s14], [sflag:$0x2] =	stream.indirect_vreg.gather [hbm4b:s6+s2], $0x80, v3, vm0, $0xb8;
	[tilespmem:$0x14200] =	vst v63  }
0xe7: {  	v3 =	vld [tilespmem:$0x88];
	_ =	sdelay $0x4  }
0xe8: {  	v44 =	vshll.u32 v3, $0x3  }
0xe9: {  	v3 =	vand.u32 $0x7, v3;
	v4 =	vand.u32 $0xFFFFFFC0, v44  }
0xea: {  	v3 =	vor.u32 v3, v4  }
0xeb: {  	v4 =	vperm.xlane v3, v0;
	_ =	sdelay $0x1  }
0xec: {  	v4 =	vadd.s32 v1, v4;
	_ =	sdelay $0x3  }
0xed: {  	s31 =	simm.s32 $0xE200  }
0xee: {  	[tilespmem:s31], [sflag:$0x2] =	stream.indirect_vreg.gather [hbm4b:s3+s2], $0x80, v4, vm0, $0xb8;
	[tilespmem:$0x14200] =	vst v63  }
0xef: {  	v3 =	vperm.xlane v3, v2;
	s31 =	simm.s32 $0xEA00  }
0xf0: {  	[tilespmem:s31], [sflag:$0x2] =	stream.indirect_vreg.gather [hbm4b:s4+s2], $0x80, v4, vm0, $0xb8;
	[tilespmem:$0x14200] =	vst v63  }
0xf1: {  	v3 =	vadd.s32 v1, v3;
	s31 =	simm.s32 $0xF200  }
0xf2: {  	[tilespmem:s31], [sflag:$0x2] =	stream.indirect_vreg.gather [hbm4b:s5+s2], $0x80, v4, vm0, $0xb8;
	[tilespmem:$0x14200] =	vst v63  }
0xf3: {  	s31 =	simm.s32 $0xFA00  }
0xf4: {  	[tilespmem:s31], [sflag:$0x2] =	stream.indirect_vreg.gather [hbm4b:s6+s2], $0x80, v4, vm0, $0xb8;
	[tilespmem:$0x14200] =	vst v63  }
0xf5: {  	s31 =	simm.s32 $0x10200  }
0xf6: {  	[tilespmem:s31], [sflag:$0x2] =	stream.indirect_vreg.gather [hbm4b:s3+s2], $0x80, v3, vm0, $0xb8;
	[tilespmem:$0x14200] =	vst v63  }
0xf7: {  	s31 =	simm.s32 $0x10A00  }
0xf8: {  	[tilespmem:s31], [sflag:$0x2] =	stream.indirect_vreg.gather [hbm4b:s4+s2], $0x80, v3, vm0, $0xb8;
	[tilespmem:$0x14200] =	vst v63  }
0xf9: {  	s31 =	simm.s32 $0x11200  }
0xfa: {  	[tilespmem:s31], [sflag:$0x2] =	stream.indirect_vreg.gather [hbm4b:s5+s2], $0x80, v3, vm0, $0xb8;
	[tilespmem:$0x14200] =	vst v63  }
0xfb: {  	s11 =	simm.s32 $0x11A00  }
0xfc: {  	[tilespmem:s11], [sflag:$0x2] =	stream.indirect_vreg.gather [hbm4b:s6+s2], $0x80, v3, vm0, $0xb8;
	[tilespmem:$0x14200] =	vst v63  }
0xfd: {  	v3 =	vld.msk [tilespmem:$0x98], $0xff;
	_ =	sdelay $0x4  }
0xfe: {  	v45 =	vshll.u32 v3, $0x3  }
0xff: {  	v3 =	vand.u32 $0x7, v3;
	v4 =	vand.u32 $0xFFFFFFC0, v45  }
0x100: {  	v3 =	vor.u32 v3, v4  }
0x101: {  	v3 =	vperm.xlane v3, v0;
	_ =	sdelay $0x1  }
0x102: {  	v3 =	vadd.s32 v1, v3;
	_ =	sdelay $0x3  }
0x103: {  	s31 =	simm.s32 $0x12200  }
0x104: {  	[tilespmem:s31], [sflag:$0x2] =	stream.indirect_vreg.gather [hbm4b:s3+s2], $0x80, v3, vm0, $0xb8;
	[tilespmem:$0x14200] =	vst v63  }
0x105: {  	s31 =	simm.s32 $0x12A00  }
0x106: {  	[tilespmem:s31], [sflag:$0x2] =	stream.indirect_vreg.gather [hbm4b:s4+s2], $0x80, v3, vm0, $0xb8;
	[tilespmem:$0x14200] =	vst v63  }
0x107: {  	s31 =	simm.s32 $0x13200  }
0x108: {  	[tilespmem:s31], [sflag:$0x2] =	stream.indirect_vreg.gather [hbm4b:s5+s2], $0x80, v3, vm0, $0xb8;
	[tilespmem:$0x14200] =	vst v63  }
0x109: {  	s12 =	simm.s32 $0x13A00  }
0x10a: {  	[tilespmem:s12], [sflag:$0x2] =	stream.indirect_vreg.gather [hbm4b:s6+s2], $0x80, v3, vm0, $0xb8;
	[tilespmem:$0x14200] =	vst v63  }
0x10b: {  	_ =	swait.ge [sflag:s25], $0xA000  }
0x10c: {  	[sflag:s25] =	ssyncset.done $0x0  }
0x10d: {  	s31 =	rddreg [dreg:$0x6];
	[sflag:s25] =	ssyncadd.s32 $0xFFFF6000  }
0x10e: {  	[hbm4b:s31+s2] =	stream.linear.scatter [tilespmem:s10], [sflag:$0x3], $0xA000, $0x38;
	[tilespmem:$0x14200] =	vst v63  }
0x10f: {  	_ =	swait.ge [sflag:s26], $0xA000  }
0x110: {  	[sflag:s26] =	ssyncset.done $0x0  }
0x111: {  	[sflag:s26] =	ssyncadd.s32 $0xFFFF6000  }
0x112: {  	v3 =	vld [tilespmem:$0xA0];
	_ =	sdelay $0x4  }
0x113: {  	v46 =	vshll.u32 v3, $0x3  }
0x114: {  	v3 =	vand.u32 $0x7, v3;
	v4 =	vand.u32 $0xFFFFFFC0, v46  }
0x115: {  	v3 =	vor.u32 v3, v4  }
0x116: {  	v4 =	vperm.xlane v3, v0;
	_ =	sdelay $0x1  }
0x117: {  	v4 =	vadd.s32 v1, v4;
	_ =	sdelay $0x4  }
0x118: {  	[tilespmem:s10], [sflag:$0x1] =	stream.indirect_vreg.gather [hbm4b:s3+s2], $0x80, v4, vm0, $0xb8;
	[tilespmem:$0x14200] =	vst v63  }
0x119: {  	s31 =	simm.s32 $0xA00;
	v3 =	vperm.xlane v3, v2  }
0x11a: {  	[tilespmem:s31], [sflag:$0x1] =	stream.indirect_vreg.gather [hbm4b:s4+s2], $0x80, v4, vm0, $0xb8;
	[tilespmem:$0x14200] =	vst v63  }
0x11b: {  	v3 =	vadd.s32 v1, v3  }
0x11c: {  	[tilespmem:s0], [sflag:$0x1] =	stream.indirect_vreg.gather [hbm4b:s5+s2], $0x80, v4, vm0, $0xb8;
	[tilespmem:$0x14200] =	vst v63  }
0x11d: {  	_ = 	snop  }
0x11e: {  	[tilespmem:s1], [sflag:$0x1] =	stream.indirect_vreg.gather [hbm4b:s6+s2], $0x80, v4, vm0, $0xb8;
	[tilespmem:$0x14200] =	vst v63  }
0x11f: {  	_ = 	snop  }
0x120: {  	[tilespmem:s9], [sflag:$0x1] =	stream.indirect_vreg.gather [hbm4b:s3+s2], $0x80, v3, vm0, $0xb8;
	[tilespmem:$0x14200] =	vst v63  }
0x121: {  	_ = 	snop  }
0x122: {  	[tilespmem:s15], [sflag:$0x1] =	stream.indirect_vreg.gather [hbm4b:s4+s2], $0x80, v3, vm0, $0xb8;
	[tilespmem:$0x14200] =	vst v63  }
0x123: {  	_ = 	snop  }
0x124: {  	[tilespmem:s16], [sflag:$0x1] =	stream.indirect_vreg.gather [hbm4b:s5+s2], $0x80, v3, vm0, $0xb8;
	[tilespmem:$0x14200] =	vst v63  }
0x125: {  	s31 =	simm.s32 $0x3A00  }
0x126: {  	[tilespmem:s31], [sflag:$0x1] =	stream.indirect_vreg.gather [hbm4b:s6+s2], $0x80, v3, vm0, $0xb8;
	[tilespmem:$0x14200] =	vst v63  }
0x127: {  	v3 =	vld [tilespmem:$0xB0];
	_ =	sdelay $0x4  }
0x128: {  	v47 =	vshll.u32 v3, $0x3  }
0x129: {  	v3 =	vand.u32 $0x7, v3;
	v4 =	vand.u32 $0xFFFFFFC0, v47  }
0x12a: {  	v3 =	vor.u32 v3, v4  }
0x12b: {  	v4 =	vperm.xlane v3, v0;
	_ =	sdelay $0x1  }
0x12c: {  	v4 =	vadd.s32 v1, v4;
	_ =	sdelay $0x3  }
0x12d: {  	s31 =	simm.s32 $0x4200  }
0x12e: {  	[tilespmem:s31], [sflag:$0x1] =	stream.indirect_vreg.gather [hbm4b:s3+s2], $0x80, v4, vm0, $0xb8;
	[tilespmem:$0x14200] =	vst v63  }
0x12f: {  	v3 =	vperm.xlane v3, v2;
	s31 =	simm.s32 $0x4A00  }
0x130: {  	[tilespmem:s31], [sflag:$0x1] =	stream.indirect_vreg.gather [hbm4b:s4+s2], $0x80, v4, vm0, $0xb8;
	[tilespmem:$0x14200] =	vst v63  }
0x131: {  	v3 =	vadd.s32 v1, v3  }
0x132: {  	[tilespmem:s17], [sflag:$0x1] =	stream.indirect_vreg.gather [hbm4b:s5+s2], $0x80, v4, vm0, $0xb8;
	[tilespmem:$0x14200] =	vst v63  }
0x133: {  	_ = 	snop  }
0x134: {  	[tilespmem:s18], [sflag:$0x1] =	stream.indirect_vreg.gather [hbm4b:s6+s2], $0x80, v4, vm0, $0xb8;
	[tilespmem:$0x14200] =	vst v63  }
0x135: {  	_ = 	snop  }
0x136: {  	[tilespmem:s19], [sflag:$0x1] =	stream.indirect_vreg.gather [hbm4b:s3+s2], $0x80, v3, vm0, $0xb8;
	[tilespmem:$0x14200] =	vst v63  }
0x137: {  	_ = 	snop  }
0x138: {  	[tilespmem:s20], [sflag:$0x1] =	stream.indirect_vreg.gather [hbm4b:s4+s2], $0x80, v3, vm0, $0xb8;
	[tilespmem:$0x14200] =	vst v63  }
0x139: {  	_ = 	snop  }
0x13a: {  	[tilespmem:s21], [sflag:$0x1] =	stream.indirect_vreg.gather [hbm4b:s5+s2], $0x80, v3, vm0, $0xb8;
	[tilespmem:$0x14200] =	vst v63  }
0x13b: {  	s31 =	simm.s32 $0x7A00  }
0x13c: {  	[tilespmem:s31], [sflag:$0x1] =	stream.indirect_vreg.gather [hbm4b:s6+s2], $0x80, v3, vm0, $0xb8;
	[tilespmem:$0x14200] =	vst v63  }
0x13d: {  	v3 =	vld.msk [tilespmem:$0xC0], $0xff;
	_ =	sdelay $0x4  }
0x13e: {  	v48 =	vshll.u32 v3, $0x3  }
0x13f: {  	v3 =	vand.u32 $0x7, v3;
	v4 =	vand.u32 $0xFFFFFFC0, v48  }
0x140: {  	v3 =	vor.u32 v3, v4  }
0x141: {  	v3 =	vperm.xlane v3, v0;
	_ =	sdelay $0x1  }
0x142: {  	v3 =	vadd.s32 v1, v3;
	_ =	sdelay $0x4  }
0x143: {  	[tilespmem:s22], [sflag:$0x1] =	stream.indirect_vreg.gather [hbm4b:s3+s2], $0x80, v3, vm0, $0xb8;
	[tilespmem:$0x14200] =	vst v63  }
0x144: {  	_ = 	snop  }
0x145: {  	[tilespmem:s23], [sflag:$0x1] =	stream.indirect_vreg.gather [hbm4b:s4+s2], $0x80, v3, vm0, $0xb8;
	[tilespmem:$0x14200] =	vst v63  }
0x146: {  	_ = 	snop  }
0x147: {  	[tilespmem:s24], [sflag:$0x1] =	stream.indirect_vreg.gather [hbm4b:s5+s2], $0x80, v3, vm0, $0xb8;
	[tilespmem:$0x14200] =	vst v63  }
0x148: {  	s31 =	simm.s32 $0x9A00  }
0x149: {  	[tilespmem:s31], [sflag:$0x1] =	stream.indirect_vreg.gather [hbm4b:s6+s2], $0x80, v3, vm0, $0xb8;
	[tilespmem:$0x14200] =	vst v63  }
0x14a: {  	_ =	swait.ge [sflag:s28], $0xA000  }
0x14b: {  	[sflag:s28] =	ssyncset.done $0x0  }
0x14c: {  	s31 =	rddreg [dreg:$0x7];
	[sflag:s28] =	ssyncadd.s32 $0xFFFF6000  }
0x14d: {  	[hbm4b:s31+s2] =	stream.linear.scatter [tilespmem:s30], [sflag:$0x4], $0xA000, $0x38;
	[tilespmem:$0x14200] =	vst v63  }
0x14e: {  	_ =	swait.ge [sflag:s29], $0xA000  }
0x14f: {  	[sflag:s29] =	ssyncset.done $0x0  }
0x150: {  	[sflag:s29] =	ssyncadd.s32 $0xFFFF6000  }
0x151: {  	v3 =	vld [tilespmem:$0xC8];
	_ =	sdelay $0x4  }
0x152: {  	v49 =	vshll.u32 v3, $0x3  }
0x153: {  	v3 =	vand.u32 $0x7, v3;
	v4 =	vand.u32 $0xFFFFFFC0, v49  }
0x154: {  	v3 =	vor.u32 v3, v4  }
0x155: {  	v4 =	vperm.xlane v3, v0;
	_ =	sdelay $0x1  }
0x156: {  	v4 =	vadd.s32 v1, v4;
	_ =	sdelay $0x4  }
0x157: {  	[tilespmem:s30], [sflag:$0x2] =	stream.indirect_vreg.gather [hbm4b:s3+s2], $0x80, v4, vm0, $0xb8;
	[tilespmem:$0x14200] =	vst v63  }
0x158: {  	s31 =	simm.s32 $0xAA00;
	v3 =	vperm.xlane v3, v2  }
0x159: {  	[tilespmem:s31], [sflag:$0x2] =	stream.indirect_vreg.gather [hbm4b:s4+s2], $0x80, v4, vm0, $0xb8;
	[tilespmem:$0x14200] =	vst v63  }
0x15a: {  	s8 =	simm.s32 $0xB200;
	v3 =	vadd.s32 v1, v3  }
0x15b: {  	[tilespmem:s8], [sflag:$0x2] =	stream.indirect_vreg.gather [hbm4b:s5+s2], $0x80, v4, vm0, $0xb8;
	[tilespmem:$0x14200] =	vst v63  }
0x15c: {  	s13 =	simm.s32 $0xBA00  }
0x15d: {  	[tilespmem:s13], [sflag:$0x2] =	stream.indirect_vreg.gather [hbm4b:s6+s2], $0x80, v4, vm0, $0xb8;
	[tilespmem:$0x14200] =	vst v63  }
0x15e: {  	s31 =	simm.s32 $0xC200  }
0x15f: {  	[tilespmem:s31], [sflag:$0x2] =	stream.indirect_vreg.gather [hbm4b:s3+s2], $0x80, v3, vm0, $0xb8;
	[tilespmem:$0x14200] =	vst v63  }
0x160: {  	s31 =	simm.s32 $0xCA00  }
0x161: {  	[tilespmem:s31], [sflag:$0x2] =	stream.indirect_vreg.gather [hbm4b:s4+s2], $0x80, v3, vm0, $0xb8;
	[tilespmem:$0x14200] =	vst v63  }
0x162: {  	s31 =	simm.s32 $0xD200  }
0x163: {  	[tilespmem:s31], [sflag:$0x2] =	stream.indirect_vreg.gather [hbm4b:s5+s2], $0x80, v3, vm0, $0xb8;
	[tilespmem:$0x14200] =	vst v63  }
0x164: {  	s31 =	simm.s32 $0xDA00  }
0x165: {  	[tilespmem:s31], [sflag:$0x2] =	stream.indirect_vreg.gather [hbm4b:s6+s2], $0x80, v3, vm0, $0xb8;
	[tilespmem:$0x14200] =	vst v63  }
0x166: {  	v3 =	vld [tilespmem:$0xD8];
	_ =	sdelay $0x4  }
0x167: {  	v50 =	vshll.u32 v3, $0x3  }
0x168: {  	v3 =	vand.u32 $0x7, v3;
	v4 =	vand.u32 $0xFFFFFFC0, v50  }
0x169: {  	v3 =	vor.u32 v3, v4  }
0x16a: {  	v4 =	vperm.xlane v3, v0;
	_ =	sdelay $0x1  }
0x16b: {  	v4 =	vadd.s32 v1, v4;
	_ =	sdelay $0x3  }
0x16c: {  	s31 =	simm.s32 $0xE200  }
0x16d: {  	[tilespmem:s31], [sflag:$0x2] =	stream.indirect_vreg.gather [hbm4b:s3+s2], $0x80, v4, vm0, $0xb8;
	[tilespmem:$0x14200] =	vst v63  }
0x16e: {  	v3 =	vperm.xlane v3, v2;
	s31 =	simm.s32 $0xEA00  }
0x16f: {  	[tilespmem:s31], [sflag:$0x2] =	stream.indirect_vreg.gather [hbm4b:s4+s2], $0x80, v4, vm0, $0xb8;
	[tilespmem:$0x14200] =	vst v63  }
0x170: {  	s14 =	simm.s32 $0xF200;
	v3 =	vadd.s32 v1, v3  }
0x171: {  	[tilespmem:s14], [sflag:$0x2] =	stream.indirect_vreg.gather [hbm4b:s5+s2], $0x80, v4, vm0, $0xb8;
	[tilespmem:$0x14200] =	vst v63  }
0x172: {  	s31 =	simm.s32 $0xFA00  }
0x173: {  	[tilespmem:s31], [sflag:$0x2] =	stream.indirect_vreg.gather [hbm4b:s6+s2], $0x80, v4, vm0, $0xb8;
	[tilespmem:$0x14200] =	vst v63  }
0x174: {  	s31 =	simm.s32 $0x10200  }
0x175: {  	[tilespmem:s31], [sflag:$0x2] =	stream.indirect_vreg.gather [hbm4b:s3+s2], $0x80, v3, vm0, $0xb8;
	[tilespmem:$0x14200] =	vst v63  }
0x176: {  	s31 =	simm.s32 $0x10A00  }
0x177: {  	[tilespmem:s31], [sflag:$0x2] =	stream.indirect_vreg.gather [hbm4b:s4+s2], $0x80, v3, vm0, $0xb8;
	[tilespmem:$0x14200] =	vst v63  }
0x178: {  	s31 =	simm.s32 $0x11200  }
0x179: {  	[tilespmem:s31], [sflag:$0x2] =	stream.indirect_vreg.gather [hbm4b:s5+s2], $0x80, v3, vm0, $0xb8;
	[tilespmem:$0x14200] =	vst v63  }
0x17a: {  	s31 =	simm.s32 $0x11A00  }
0x17b: {  	[tilespmem:s31], [sflag:$0x2] =	stream.indirect_vreg.gather [hbm4b:s6+s2], $0x80, v3, vm0, $0xb8;
	[tilespmem:$0x14200] =	vst v63  }
0x17c: {  	v3 =	vld.msk [tilespmem:$0xE8], $0xff;
	_ =	sdelay $0x4  }
0x17d: {  	v51 =	vshll.u32 v3, $0x3  }
0x17e: {  	v3 =	vand.u32 $0x7, v3;
	v4 =	vand.u32 $0xFFFFFFC0, v51  }
0x17f: {  	v3 =	vor.u32 v3, v4  }
0x180: {  	v3 =	vperm.xlane v3, v0;
	_ =	sdelay $0x1  }
0x181: {  	v3 =	vadd.s32 v1, v3;
	_ =	sdelay $0x3  }
0x182: {  	s11 =	simm.s32 $0x12200  }
0x183: {  	[tilespmem:s11], [sflag:$0x2] =	stream.indirect_vreg.gather [hbm4b:s3+s2], $0x80, v3, vm0, $0xb8;
	[tilespmem:$0x14200] =	vst v63  }
0x184: {  	s14 =	simm.s32 $0x12A00  }
0x185: {  	[tilespmem:s14], [sflag:$0x2] =	stream.indirect_vreg.gather [hbm4b:s4+s2], $0x80, v3, vm0, $0xb8;
	[tilespmem:$0x14200] =	vst v63  }
0x186: {  	s31 =	simm.s32 $0x13200  }
0x187: {  	[tilespmem:s31], [sflag:$0x2] =	stream.indirect_vreg.gather [hbm4b:s5+s2], $0x80, v3, vm0, $0xb8;
	[tilespmem:$0x14200] =	vst v63  }
0x188: {  	s12 =	simm.s32 $0x13A00  }
0x189: {  	[tilespmem:s12], [sflag:$0x2] =	stream.indirect_vreg.gather [hbm4b:s6+s2], $0x80, v3, vm0, $0xb8;
	[tilespmem:$0x14200] =	vst v63  }
0x18a: {  	_ =	swait.ge [sflag:s25], $0xA000  }
0x18b: {  	[sflag:s25] =	ssyncset.done $0x0  }
0x18c: {  	s12 =	rddreg [dreg:$0x8];
	[sflag:s25] =	ssyncadd.s32 $0xFFFF6000  }
0x18d: {  	[hbm4b:s12+s2] =	stream.linear.scatter [tilespmem:s10], [sflag:$0x3], $0xA000, $0x38;
	[tilespmem:$0x14200] =	vst v63  }
0x18e: {  	_ =	swait.ge [sflag:s26], $0xA000  }
0x18f: {  	[sflag:s26] =	ssyncset.done $0x0  }
0x190: {  	[sflag:s26] =	ssyncadd.s32 $0xFFFF6000  }
0x191: {  	v3 =	vld [tilespmem:$0xF0];
	_ =	sdelay $0x4  }
0x192: {  	v52 =	vshll.u32 v3, $0x3  }
0x193: {  	v3 =	vand.u32 $0x7, v3;
	v4 =	vand.u32 $0xFFFFFFC0, v52  }
0x194: {  	v3 =	vor.u32 v3, v4  }
0x195: {  	v4 =	vperm.xlane v3, v0;
	_ =	sdelay $0x1  }
0x196: {  	v4 =	vadd.s32 v1, v4;
	_ =	sdelay $0x4  }
0x197: {  	[tilespmem:s10], [sflag:$0x1] =	stream.indirect_vreg.gather [hbm4b:s3+s2], $0x80, v4, vm0, $0xb8;
	[tilespmem:$0x14200] =	vst v63  }
0x198: {  	s14 =	simm.s32 $0xA00;
	v3 =	vperm.xlane v3, v2  }
0x199: {  	[tilespmem:s14], [sflag:$0x1] =	stream.indirect_vreg.gather [hbm4b:s4+s2], $0x80, v4, vm0, $0xb8;
	[tilespmem:$0x14200] =	vst v63  }
0x19a: {  	s0 =	simm.s32 $0x1200;
	v3 =	vadd.s32 v1, v3  }
0x19b: {  	[tilespmem:s0], [sflag:$0x1] =	stream.indirect_vreg.gather [hbm4b:s5+s2], $0x80, v4, vm0, $0xb8;
	[tilespmem:$0x14200] =	vst v63  }
0x19c: {  	s1 =	simm.s32 $0x1A00  }
0x19d: {  	[tilespmem:s1], [sflag:$0x1] =	stream.indirect_vreg.gather [hbm4b:s6+s2], $0x80, v4, vm0, $0xb8;
	[tilespmem:$0x14200] =	vst v63  }
0x19e: {  	s9 =	simm.s32 $0x2200  }
0x19f: {  	[tilespmem:s9], [sflag:$0x1] =	stream.indirect_vreg.gather [hbm4b:s3+s2], $0x80, v3, vm0, $0xb8;
	[tilespmem:$0x14200] =	vst v63  }
0x1a0: {  	s15 =	simm.s32 $0x2A00  }
0x1a1: {  	[tilespmem:s15], [sflag:$0x1] =	stream.indirect_vreg.gather [hbm4b:s4+s2], $0x80, v3, vm0, $0xb8;
	[tilespmem:$0x14200] =	vst v63  }
0x1a2: {  	s16 =	simm.s32 $0x3200  }
0x1a3: {  	[tilespmem:s16], [sflag:$0x1] =	stream.indirect_vreg.gather [hbm4b:s5+s2], $0x80, v3, vm0, $0xb8;
	[tilespmem:$0x14200] =	vst v63  }
0x1a4: {  	s31 =	simm.s32 $0x3A00  }
0x1a5: {  	[tilespmem:s31], [sflag:$0x1] =	stream.indirect_vreg.gather [hbm4b:s6+s2], $0x80, v3, vm0, $0xb8;
	[tilespmem:$0x14200] =	vst v63  }
0x1a6: {  	v3 =	vld [tilespmem:$0x100];
	_ =	sdelay $0x4  }
0x1a7: {  	v53 =	vshll.u32 v3, $0x3  }
0x1a8: {  	v3 =	vand.u32 $0x7, v3;
	v4 =	vand.u32 $0xFFFFFFC0, v53  }
0x1a9: {  	v3 =	vor.u32 v3, v4  }
0x1aa: {  	v4 =	vperm.xlane v3, v0;
	_ =	sdelay $0x1  }
0x1ab: {  	v4 =	vadd.s32 v1, v4;
	_ =	sdelay $0x3  }
0x1ac: {  	s14 =	simm.s32 $0x4200  }
0x1ad: {  	[tilespmem:s14], [sflag:$0x1] =	stream.indirect_vreg.gather [hbm4b:s3+s2], $0x80, v4, vm0, $0xb8;
	[tilespmem:$0x14200] =	vst v63  }
0x1ae: {  	s16 =	simm.s32 $0x4A00;
	v3 =	vperm.xlane v3, v2  }
0x1af: {  	[tilespmem:s16], [sflag:$0x1] =	stream.indirect_vreg.gather [hbm4b:s4+s2], $0x80, v4, vm0, $0xb8;
	[tilespmem:$0x14200] =	vst v63  }
0x1b0: {  	s17 =	simm.s32 $0x5200;
	v3 =	vadd.s32 v1, v3  }
0x1b1: {  	[tilespmem:s17], [sflag:$0x1] =	stream.indirect_vreg.gather [hbm4b:s5+s2], $0x80, v4, vm0, $0xb8;
	[tilespmem:$0x14200] =	vst v63  }
0x1b2: {  	s18 =	simm.s32 $0x5A00  }
0x1b3: {  	[tilespmem:s18], [sflag:$0x1] =	stream.indirect_vreg.gather [hbm4b:s6+s2], $0x80, v4, vm0, $0xb8;
	[tilespmem:$0x14200] =	vst v63  }
0x1b4: {  	s19 =	simm.s32 $0x6200  }
0x1b5: {  	[tilespmem:s19], [sflag:$0x1] =	stream.indirect_vreg.gather [hbm4b:s3+s2], $0x80, v3, vm0, $0xb8;
	[tilespmem:$0x14200] =	vst v63  }
0x1b6: {  	s20 =	simm.s32 $0x6A00  }
0x1b7: {  	[tilespmem:s20], [sflag:$0x1] =	stream.indirect_vreg.gather [hbm4b:s4+s2], $0x80, v3, vm0, $0xb8;
	[tilespmem:$0x14200] =	vst v63  }
0x1b8: {  	s21 =	simm.s32 $0x7200  }
0x1b9: {  	[tilespmem:s21], [sflag:$0x1] =	stream.indirect_vreg.gather [hbm4b:s5+s2], $0x80, v3, vm0, $0xb8;
	[tilespmem:$0x14200] =	vst v63  }
0x1ba: {  	s31 =	simm.s32 $0x7A00  }
0x1bb: {  	[tilespmem:s31], [sflag:$0x1] =	stream.indirect_vreg.gather [hbm4b:s6+s2], $0x80, v3, vm0, $0xb8;
	[tilespmem:$0x14200] =	vst v63  }
0x1bc: {  	v3 =	vld.msk [tilespmem:$0x110], $0xff;
	_ =	sdelay $0x4  }
0x1bd: {  	v54 =	vshll.u32 v3, $0x3  }
0x1be: {  	v3 =	vand.u32 $0x7, v3;
	v4 =	vand.u32 $0xFFFFFFC0, v54  }
0x1bf: {  	v3 =	vor.u32 v3, v4  }
0x1c0: {  	v3 =	vperm.xlane v3, v0;
	_ =	sdelay $0x1  }
0x1c1: {  	v3 =	vadd.s32 v1, v3;
	_ =	sdelay $0x3  }
0x1c2: {  	s22 =	simm.s32 $0x8200  }
0x1c3: {  	[tilespmem:s22], [sflag:$0x1] =	stream.indirect_vreg.gather [hbm4b:s3+s2], $0x80, v3, vm0, $0xb8;
	[tilespmem:$0x14200] =	vst v63  }
0x1c4: {  	s23 =	simm.s32 $0x8A00  }
0x1c5: {  	[tilespmem:s23], [sflag:$0x1] =	stream.indirect_vreg.gather [hbm4b:s4+s2], $0x80, v3, vm0, $0xb8;
	[tilespmem:$0x14200] =	vst v63  }
0x1c6: {  	s24 =	simm.s32 $0x9200  }
0x1c7: {  	[tilespmem:s24], [sflag:$0x1] =	stream.indirect_vreg.gather [hbm4b:s5+s2], $0x80, v3, vm0, $0xb8;
	[tilespmem:$0x14200] =	vst v63  }
0x1c8: {  	s14 =	simm.s32 $0x9A00  }
0x1c9: {  	[tilespmem:s14], [sflag:$0x1] =	stream.indirect_vreg.gather [hbm4b:s6+s2], $0x80, v3, vm0, $0xb8;
	[tilespmem:$0x14200] =	vst v63  }
0x1ca: {  	_ =	swait.ge [sflag:s28], $0xA000  }
0x1cb: {  	[sflag:s28] =	ssyncset.done $0x0  }
0x1cc: {  	s24 =	rddreg [dreg:$0x9];
	[sflag:s28] =	ssyncadd.s32 $0xFFFF6000  }
0x1cd: {  	[hbm4b:s24+s2] =	stream.linear.scatter [tilespmem:s30], [sflag:$0x4], $0xA000, $0x38;
	[tilespmem:$0x14200] =	vst v63  }
0x1ce: {  	_ =	swait.ge [sflag:s29], $0xA000  }
0x1cf: {  	[sflag:s29] =	ssyncset.done $0x0  }
0x1d0: {  	[sflag:s29] =	ssyncadd.s32 $0xFFFF6000  }
0x1d1: {  	v3 =	vld [tilespmem:$0x118];
	_ =	sdelay $0x4  }
0x1d2: {  	v55 =	vshll.u32 v3, $0x3  }
0x1d3: {  	v3 =	vand.u32 $0x7, v3;
	v4 =	vand.u32 $0xFFFFFFC0, v55  }
0x1d4: {  	v3 =	vor.u32 v3, v4  }
0x1d5: {  	v4 =	vperm.xlane v3, v0;
	_ =	sdelay $0x1  }
0x1d6: {  	v4 =	vadd.s32 v1, v4;
	_ =	sdelay $0x4  }
0x1d7: {  	[tilespmem:s30], [sflag:$0x2] =	stream.indirect_vreg.gather [hbm4b:s3+s2], $0x80, v4, vm0, $0xb8;
	[tilespmem:$0x14200] =	vst v63  }
0x1d8: {  	s31 =	simm.s32 $0xAA00;
	v3 =	vperm.xlane v3, v2  }
0x1d9: {  	[tilespmem:s31], [sflag:$0x2] =	stream.indirect_vreg.gather [hbm4b:s4+s2], $0x80, v4, vm0, $0xb8;
	[tilespmem:$0x14200] =	vst v63  }
0x1da: {  	s8 =	simm.s32 $0xB200;
	v3 =	vadd.s32 v1, v3  }
0x1db: {  	[tilespmem:s8], [sflag:$0x2] =	stream.indirect_vreg.gather [hbm4b:s5+s2], $0x80, v4, vm0, $0xb8;
	[tilespmem:$0x14200] =	vst v63  }
0x1dc: {  	s13 =	simm.s32 $0xBA00  }
0x1dd: {  	[tilespmem:s13], [sflag:$0x2] =	stream.indirect_vreg.gather [hbm4b:s6+s2], $0x80, v4, vm0, $0xb8;
	[tilespmem:$0x14200] =	vst v63  }
0x1de: {  	s11 =	simm.s32 $0xC200  }
0x1df: {  	[tilespmem:s11], [sflag:$0x2] =	stream.indirect_vreg.gather [hbm4b:s3+s2], $0x80, v3, vm0, $0xb8;
	[tilespmem:$0x14200] =	vst v63  }
0x1e0: {  	s14 =	simm.s32 $0xCA00  }
0x1e1: {  	[tilespmem:s14], [sflag:$0x2] =	stream.indirect_vreg.gather [hbm4b:s4+s2], $0x80, v3, vm0, $0xb8;
	[tilespmem:$0x14200] =	vst v63  }
0x1e2: {  	s31 =	simm.s32 $0xD200  }
0x1e3: {  	[tilespmem:s31], [sflag:$0x2] =	stream.indirect_vreg.gather [hbm4b:s5+s2], $0x80, v3, vm0, $0xb8;
	[tilespmem:$0x14200] =	vst v63  }
0x1e4: {  	s31 =	simm.s32 $0xDA00  }
0x1e5: {  	[tilespmem:s31], [sflag:$0x2] =	stream.indirect_vreg.gather [hbm4b:s6+s2], $0x80, v3, vm0, $0xb8;
	[tilespmem:$0x14200] =	vst v63  }
0x1e6: {  	v3 =	vld [tilespmem:$0x128];
	_ =	sdelay $0x4  }
0x1e7: {  	v56 =	vshll.u32 v3, $0x3  }
0x1e8: {  	v3 =	vand.u32 $0x7, v3;
	v4 =	vand.u32 $0xFFFFFFC0, v56  }
0x1e9: {  	v3 =	vor.u32 v3, v4  }
0x1ea: {  	v4 =	vperm.xlane v3, v0;
	_ =	sdelay $0x1  }
0x1eb: {  	v4 =	vadd.s32 v1, v4;
	_ =	sdelay $0x3  }
0x1ec: {  	s31 =	simm.s32 $0xE200  }
0x1ed: {  	[tilespmem:s31], [sflag:$0x2] =	stream.indirect_vreg.gather [hbm4b:s3+s2], $0x80, v4, vm0, $0xb8;
	[tilespmem:$0x14200] =	vst v63  }
0x1ee: {  	v3 =	vperm.xlane v3, v2;
	s31 =	simm.s32 $0xEA00  }
0x1ef: {  	[tilespmem:s31], [sflag:$0x2] =	stream.indirect_vreg.gather [hbm4b:s4+s2], $0x80, v4, vm0, $0xb8;
	[tilespmem:$0x14200] =	vst v63  }
0x1f0: {  	v3 =	vadd.s32 v1, v3;
	s31 =	simm.s32 $0xF200  }
0x1f1: {  	[tilespmem:s31], [sflag:$0x2] =	stream.indirect_vreg.gather [hbm4b:s5+s2], $0x80, v4, vm0, $0xb8;
	[tilespmem:$0x14200] =	vst v63  }
0x1f2: {  	s31 =	simm.s32 $0xFA00  }
0x1f3: {  	[tilespmem:s31], [sflag:$0x2] =	stream.indirect_vreg.gather [hbm4b:s6+s2], $0x80, v4, vm0, $0xb8;
	[tilespmem:$0x14200] =	vst v63  }
0x1f4: {  	s31 =	simm.s32 $0x10200  }
0x1f5: {  	[tilespmem:s31], [sflag:$0x2] =	stream.indirect_vreg.gather [hbm4b:s3+s2], $0x80, v3, vm0, $0xb8;
	[tilespmem:$0x14200] =	vst v63  }
0x1f6: {  	s31 =	simm.s32 $0x10A00  }
0x1f7: {  	[tilespmem:s31], [sflag:$0x2] =	stream.indirect_vreg.gather [hbm4b:s4+s2], $0x80, v3, vm0, $0xb8;
	[tilespmem:$0x14200] =	vst v63  }
0x1f8: {  	s31 =	simm.s32 $0x11200  }
0x1f9: {  	[tilespmem:s31], [sflag:$0x2] =	stream.indirect_vreg.gather [hbm4b:s5+s2], $0x80, v3, vm0, $0xb8;
	[tilespmem:$0x14200] =	vst v63  }
0x1fa: {  	s31 =	simm.s32 $0x11A00  }
0x1fb: {  	[tilespmem:s31], [sflag:$0x2] =	stream.indirect_vreg.gather [hbm4b:s6+s2], $0x80, v3, vm0, $0xb8;
	[tilespmem:$0x14200] =	vst v63  }
0x1fc: {  	v3 =	vld.msk [tilespmem:$0x138], $0xff;
	_ =	sdelay $0x4  }
0x1fd: {  	v57 =	vshll.u32 v3, $0x3  }
0x1fe: {  	v3 =	vand.u32 $0x7, v3;
	v4 =	vand.u32 $0xFFFFFFC0, v57  }
0x1ff: {  	v3 =	vor.u32 v3, v4  }
0x200: {  	v3 =	vperm.xlane v3, v0;
	_ =	sdelay $0x1  }
0x201: {  	v3 =	vadd.s32 v1, v3;
	_ =	sdelay $0x3  }
0x202: {  	s31 =	simm.s32 $0x12200  }
0x203: {  	[tilespmem:s31], [sflag:$0x2] =	stream.indirect_vreg.gather [hbm4b:s3+s2], $0x80, v3, vm0, $0xb8;
	[tilespmem:$0x14200] =	vst v63  }
0x204: {  	s31 =	simm.s32 $0x12A00  }
0x205: {  	[tilespmem:s31], [sflag:$0x2] =	stream.indirect_vreg.gather [hbm4b:s4+s2], $0x80, v3, vm0, $0xb8;
	[tilespmem:$0x14200] =	vst v63  }
0x206: {  	s31 =	simm.s32 $0x13200  }
0x207: {  	[tilespmem:s31], [sflag:$0x2] =	stream.indirect_vreg.gather [hbm4b:s5+s2], $0x80, v3, vm0, $0xb8;
	[tilespmem:$0x14200] =	vst v63  }
0x208: {  	s31 =	simm.s32 $0x13A00  }
0x209: {  	[tilespmem:s31], [sflag:$0x2] =	stream.indirect_vreg.gather [hbm4b:s6+s2], $0x80, v3, vm0, $0xb8;
	[tilespmem:$0x14200] =	vst v63  }
0x20a: {  	_ =	swait.ge [sflag:s25], $0xA000  }
0x20b: {  	[sflag:s25] =	ssyncset.done $0x0  }
0x20c: {  	s31 =	rddreg [dreg:$0xa];
	[sflag:s25] =	ssyncadd.s32 $0xFFFF6000  }
0x20d: {  	[hbm4b:s31+s2] =	stream.linear.scatter [tilespmem:s10], [sflag:$0x3], $0xA000, $0x38;
	[tilespmem:$0x14200] =	vst v63  }
0x20e: {  	_ =	swait.ge [sflag:s26], $0xA000  }
0x20f: {  	[sflag:s26] =	ssyncset.done $0x0  }
0x210: {  	[sflag:s26] =	ssyncadd.s32 $0xFFFF6000  }
0x211: {  	v3 =	vld [tilespmem:$0x140];
	_ =	sdelay $0x4  }
0x212: {  	v58 =	vshll.u32 v3, $0x3  }
0x213: {  	v3 =	vand.u32 $0x7, v3;
	v4 =	vand.u32 $0xFFFFFFC0, v58  }
0x214: {  	v3 =	vor.u32 v3, v4  }
0x215: {  	v4 =	vperm.xlane v3, v0;
	_ =	sdelay $0x1  }
0x216: {  	v4 =	vadd.s32 v1, v4;
	_ =	sdelay $0x4  }
0x217: {  	[tilespmem:s10], [sflag:$0x1] =	stream.indirect_vreg.gather [hbm4b:s3+s2], $0x80, v4, vm0, $0xb8;
	[tilespmem:$0x14200] =	vst v63  }
0x218: {  	s31 =	simm.s32 $0xA00;
	v3 =	vperm.xlane v3, v2  }
0x219: {  	[tilespmem:s31], [sflag:$0x1] =	stream.indirect_vreg.gather [hbm4b:s4+s2], $0x80, v4, vm0, $0xb8;
	[tilespmem:$0x14200] =	vst v63  }
0x21a: {  	s12 =	simm.s32 $0x1200;
	v3 =	vadd.s32 v1, v3  }
0x21b: {  	[tilespmem:s12], [sflag:$0x1] =	stream.indirect_vreg.gather [hbm4b:s5+s2], $0x80, v4, vm0, $0xb8;
	[tilespmem:$0x14200] =	vst v63  }
0x21c: {  	s0 =	simm.s32 $0x1A00  }
0x21d: {  	[tilespmem:s0], [sflag:$0x1] =	stream.indirect_vreg.gather [hbm4b:s6+s2], $0x80, v4, vm0, $0xb8;
	[tilespmem:$0x14200] =	vst v63  }
0x21e: {  	s1 =	simm.s32 $0x2200  }
0x21f: {  	[tilespmem:s1], [sflag:$0x1] =	stream.indirect_vreg.gather [hbm4b:s3+s2], $0x80, v3, vm0, $0xb8;
	[tilespmem:$0x14200] =	vst v63  }
0x220: {  	s9 =	simm.s32 $0x2A00  }
0x221: {  	[tilespmem:s9], [sflag:$0x1] =	stream.indirect_vreg.gather [hbm4b:s4+s2], $0x80, v3, vm0, $0xb8;
	[tilespmem:$0x14200] =	vst v63  }
0x222: {  	s15 =	simm.s32 $0x3200  }
0x223: {  	[tilespmem:s15], [sflag:$0x1] =	stream.indirect_vreg.gather [hbm4b:s5+s2], $0x80, v3, vm0, $0xb8;
	[tilespmem:$0x14200] =	vst v63  }
0x224: {  	s9 =	simm.s32 $0x3A00  }
0x225: {  	[tilespmem:s9], [sflag:$0x1] =	stream.indirect_vreg.gather [hbm4b:s6+s2], $0x80, v3, vm0, $0xb8;
	[tilespmem:$0x14200] =	vst v63  }
0x226: {  	v3 =	vld [tilespmem:$0x150];
	_ =	sdelay $0x4  }
0x227: {  	v59 =	vshll.u32 v3, $0x3  }
0x228: {  	v3 =	vand.u32 $0x7, v3;
	v4 =	vand.u32 $0xFFFFFFC0, v59  }
0x229: {  	v3 =	vor.u32 v3, v4  }
0x22a: {  	v4 =	vperm.xlane v3, v0;
	_ =	sdelay $0x1  }
0x22b: {  	v4 =	vadd.s32 v1, v4;
	_ =	sdelay $0x3  }
0x22c: {  	s12 =	simm.s32 $0x4200  }
0x22d: {  	[tilespmem:s12], [sflag:$0x1] =	stream.indirect_vreg.gather [hbm4b:s3+s2], $0x80, v4, vm0, $0xb8;
	[tilespmem:$0x14200] =	vst v63  }
0x22e: {  	s15 =	simm.s32 $0x4A00;
	v3 =	vperm.xlane v3, v2  }
0x22f: {  	[tilespmem:s15], [sflag:$0x1] =	stream.indirect_vreg.gather [hbm4b:s4+s2], $0x80, v4, vm0, $0xb8;
	[tilespmem:$0x14200] =	vst v63  }
0x230: {  	s16 =	simm.s32 $0x5200;
	v3 =	vadd.s32 v1, v3  }
0x231: {  	[tilespmem:s16], [sflag:$0x1] =	stream.indirect_vreg.gather [hbm4b:s5+s2], $0x80, v4, vm0, $0xb8;
	[tilespmem:$0x14200] =	vst v63  }
0x232: {  	s17 =	simm.s32 $0x5A00  }
0x233: {  	[tilespmem:s17], [sflag:$0x1] =	stream.indirect_vreg.gather [hbm4b:s6+s2], $0x80, v4, vm0, $0xb8;
	[tilespmem:$0x14200] =	vst v63  }
0x234: {  	s18 =	simm.s32 $0x6200  }
0x235: {  	[tilespmem:s18], [sflag:$0x1] =	stream.indirect_vreg.gather [hbm4b:s3+s2], $0x80, v3, vm0, $0xb8;
	[tilespmem:$0x14200] =	vst v63  }
0x236: {  	s19 =	simm.s32 $0x6A00  }
0x237: {  	[tilespmem:s19], [sflag:$0x1] =	stream.indirect_vreg.gather [hbm4b:s4+s2], $0x80, v3, vm0, $0xb8;
	[tilespmem:$0x14200] =	vst v63  }
0x238: {  	s20 =	simm.s32 $0x7200  }
0x239: {  	[tilespmem:s20], [sflag:$0x1] =	stream.indirect_vreg.gather [hbm4b:s5+s2], $0x80, v3, vm0, $0xb8;
	[tilespmem:$0x14200] =	vst v63  }
0x23a: {  	s20 =	simm.s32 $0x7A00  }
0x23b: {  	[tilespmem:s20], [sflag:$0x1] =	stream.indirect_vreg.gather [hbm4b:s6+s2], $0x80, v3, vm0, $0xb8;
	[tilespmem:$0x14200] =	vst v63  }
0x23c: {  	v3 =	vld.msk [tilespmem:$0x160], $0xff;
	_ =	sdelay $0x4  }
0x23d: {  	v60 =	vshll.u32 v3, $0x3  }
0x23e: {  	v3 =	vand.u32 $0x7, v3;
	v4 =	vand.u32 $0xFFFFFFC0, v60  }
0x23f: {  	v3 =	vor.u32 v3, v4  }
0x240: {  	v3 =	vperm.xlane v3, v0;
	_ =	sdelay $0x1  }
0x241: {  	v3 =	vadd.s32 v1, v3;
	_ =	sdelay $0x3  }
0x242: {  	s21 =	simm.s32 $0x8200  }
0x243: {  	[tilespmem:s21], [sflag:$0x1] =	stream.indirect_vreg.gather [hbm4b:s3+s2], $0x80, v3, vm0, $0xb8;
	[tilespmem:$0x14200] =	vst v63  }
0x244: {  	s22 =	simm.s32 $0x8A00  }
0x245: {  	[tilespmem:s22], [sflag:$0x1] =	stream.indirect_vreg.gather [hbm4b:s4+s2], $0x80, v3, vm0, $0xb8;
	[tilespmem:$0x14200] =	vst v63  }
0x246: {  	s23 =	simm.s32 $0x9200  }
0x247: {  	[tilespmem:s23], [sflag:$0x1] =	stream.indirect_vreg.gather [hbm4b:s5+s2], $0x80, v3, vm0, $0xb8;
	[tilespmem:$0x14200] =	vst v63  }
0x248: {  	s31 =	simm.s32 $0x9A00  }
0x249: {  	[tilespmem:s31], [sflag:$0x1] =	stream.indirect_vreg.gather [hbm4b:s6+s2], $0x80, v3, vm0, $0xb8;
	[tilespmem:$0x14200] =	vst v63  }
0x24a: {  	_ =	swait.ge [sflag:s28], $0xA000  }
0x24b: {  	[sflag:s28] =	ssyncset.done $0x0  }
0x24c: {  	s0 =	rddreg [dreg:$0xb];
	[sflag:s28] =	ssyncadd.s32 $0xFFFF6000  }
0x24d: {  	[hbm4b:s0+s2] =	stream.linear.scatter [tilespmem:s30], [sflag:$0x4], $0xA000, $0x38;
	[tilespmem:$0x14200] =	vst v63  }
0x24e: {  	_ =	swait.ge [sflag:s29], $0xA000  }
0x24f: {  	[sflag:s29] =	ssyncset.done $0x0  }
0x250: {  	[sflag:s29] =	ssyncadd.s32 $0xFFFF6000  }
0x251: {  	v3 =	vld [tilespmem:$0x168];
	_ =	sdelay $0x4  }
0x252: {  	v61 =	vshll.u32 v3, $0x3  }
0x253: {  	v3 =	vand.u32 $0x7, v3;
	v4 =	vand.u32 $0xFFFFFFC0, v61  }
0x254: {  	v3 =	vor.u32 v3, v4  }
0x255: {  	v4 =	vperm.xlane v3, v0;
	_ =	sdelay $0x1  }
0x256: {  	v4 =	vadd.s32 v1, v4;
	_ =	sdelay $0x4  }
0x257: {  	[tilespmem:s30], [sflag:$0x2] =	stream.indirect_vreg.gather [hbm4b:s3+s2], $0x80, v4, vm0, $0xb8;
	[tilespmem:$0x14200] =	vst v63  }
0x258: {  	s1 =	simm.s32 $0xAA00;
	v3 =	vperm.xlane v3, v2  }
0x259: {  	[tilespmem:s1], [sflag:$0x2] =	stream.indirect_vreg.gather [hbm4b:s4+s2], $0x80, v4, vm0, $0xb8;
	[tilespmem:$0x14200] =	vst v63  }
0x25a: {  	s24 =	simm.s32 $0xB200;
	v3 =	vadd.s32 v1, v3  }
0x25b: {  	[tilespmem:s24], [sflag:$0x2] =	stream.indirect_vreg.gather [hbm4b:s5+s2], $0x80, v4, vm0, $0xb8;
	[tilespmem:$0x14200] =	vst v63  }
0x25c: {  	s8 =	simm.s32 $0xBA00  }
0x25d: {  	[tilespmem:s8], [sflag:$0x2] =	stream.indirect_vreg.gather [hbm4b:s6+s2], $0x80, v4, vm0, $0xb8;
	[tilespmem:$0x14200] =	vst v63  }
0x25e: {  	s13 =	simm.s32 $0xC200  }
0x25f: {  	[tilespmem:s13], [sflag:$0x2] =	stream.indirect_vreg.gather [hbm4b:s3+s2], $0x80, v3, vm0, $0xb8;
	[tilespmem:$0x14200] =	vst v63  }
0x260: {  	s11 =	simm.s32 $0xCA00  }
0x261: {  	[tilespmem:s11], [sflag:$0x2] =	stream.indirect_vreg.gather [hbm4b:s4+s2], $0x80, v3, vm0, $0xb8;
	[tilespmem:$0x14200] =	vst v63  }
0x262: {  	s14 =	simm.s32 $0xD200  }
0x263: {  	[tilespmem:s14], [sflag:$0x2] =	stream.indirect_vreg.gather [hbm4b:s5+s2], $0x80, v3, vm0, $0xb8;
	[tilespmem:$0x14200] =	vst v63  }
0x264: {  	s9 =	simm.s32 $0xDA00  }
0x265: {  	[tilespmem:s9], [sflag:$0x2] =	stream.indirect_vreg.gather [hbm4b:s6+s2], $0x80, v3, vm0, $0xb8;
	[tilespmem:$0x14200] =	vst v63  }
0x266: {  	v3 =	vld [tilespmem:$0x178];
	_ =	sdelay $0x4  }
0x267: {  	v62 =	vshll.u32 v3, $0x3  }
0x268: {  	v3 =	vand.u32 $0x7, v3;
	v4 =	vand.u32 $0xFFFFFFC0, v62  }
0x269: {  	v3 =	vor.u32 v3, v4  }
0x26a: {  	v4 =	vperm.xlane v3, v0;
	_ =	sdelay $0x1  }
0x26b: {  	v4 =	vadd.s32 v1, v4;
	_ =	sdelay $0x3  }
0x26c: {  	s11 =	simm.s32 $0xE200  }
0x26d: {  	[tilespmem:s11], [sflag:$0x2] =	stream.indirect_vreg.gather [hbm4b:s3+s2], $0x80, v4, vm0, $0xb8;
	[tilespmem:$0x14200] =	vst v63  }
0x26e: {  	s12 =	simm.s32 $0xEA00;
	v3 =	vperm.xlane v3, v2  }
0x26f: {  	[tilespmem:s12], [sflag:$0x2] =	stream.indirect_vreg.gather [hbm4b:s4+s2], $0x80, v4, vm0, $0xb8;
	[tilespmem:$0x14200] =	vst v63  }
0x270: {  	s13 =	simm.s32 $0xF200;
	v3 =	vadd.s32 v1, v3  }
0x271: {  	[tilespmem:s13], [sflag:$0x2] =	stream.indirect_vreg.gather [hbm4b:s5+s2], $0x80, v4, vm0, $0xb8;
	[tilespmem:$0x14200] =	vst v63  }
0x272: {  	s14 =	simm.s32 $0xFA00  }
0x273: {  	[tilespmem:s14], [sflag:$0x2] =	stream.indirect_vreg.gather [hbm4b:s6+s2], $0x80, v4, vm0, $0xb8;
	[tilespmem:$0x14200] =	vst v63  }
0x274: {  	s15 =	simm.s32 $0x10200  }
0x275: {  	[tilespmem:s15], [sflag:$0x2] =	stream.indirect_vreg.gather [hbm4b:s3+s2], $0x80, v3, vm0, $0xb8;
	[tilespmem:$0x14200] =	vst v63  }
0x276: {  	s16 =	simm.s32 $0x10A00  }
0x277: {  	[tilespmem:s16], [sflag:$0x2] =	stream.indirect_vreg.gather [hbm4b:s4+s2], $0x80, v3, vm0, $0xb8;
	[tilespmem:$0x14200] =	vst v63  }
0x278: {  	s17 =	simm.s32 $0x11200  }
0x279: {  	[tilespmem:s17], [sflag:$0x2] =	stream.indirect_vreg.gather [hbm4b:s5+s2], $0x80, v3, vm0, $0xb8;
	[tilespmem:$0x14200] =	vst v63  }
0x27a: {  	s18 =	simm.s32 $0x11A00  }
0x27b: {  	[tilespmem:s18], [sflag:$0x2] =	stream.indirect_vreg.gather [hbm4b:s6+s2], $0x80, v3, vm0, $0xb8;
	[tilespmem:$0x14200] =	vst v63  }
0x27c: {  	v3 =	vld.msk [tilespmem:$0x188], $0xff;
	_ =	sdelay $0x4  }
0x27d: {  	v63 =	vshll.u32 v3, $0x3  }
0x27e: {  	v3 =	vand.u32 $0x7, v3;
	v4 =	vand.u32 $0xFFFFFFC0, v63  }
0x27f: {  	v3 =	vor.u32 v3, v4  }
0x280: {  	v3 =	vperm.xlane v3, v0;
	_ =	sdelay $0x1  }
0x281: {  	v3 =	vadd.s32 v1, v3;
	_ =	sdelay $0x3  }
0x282: {  	s19 =	simm.s32 $0x12200  }
0x283: {  	[tilespmem:s19], [sflag:$0x2] =	stream.indirect_vreg.gather [hbm4b:s3+s2], $0x80, v3, vm0, $0xb8;
	[tilespmem:$0x14200] =	vst v63  }
0x284: {  	s20 =	simm.s32 $0x12A00  }
0x285: {  	[tilespmem:s20], [sflag:$0x2] =	stream.indirect_vreg.gather [hbm4b:s4+s2], $0x80, v3, vm0, $0xb8;
	[tilespmem:$0x14200] =	vst v63  }
0x286: {  	s21 =	simm.s32 $0x13200  }
0x287: {  	[tilespmem:s21], [sflag:$0x2] =	stream.indirect_vreg.gather [hbm4b:s5+s2], $0x80, v3, vm0, $0xb8;
	[tilespmem:$0x14200] =	vst v63  }
0x288: {  	s22 =	simm.s32 $0x13A00  }
0x289: {  	[tilespmem:s22], [sflag:$0x2] =	stream.indirect_vreg.gather [hbm4b:s6+s2], $0x80, v3, vm0, $0xb8;
	[tilespmem:$0x14200] =	vst v63  }
0x28a: {  	_ =	swait.ge [sflag:s25], $0xA000  }
0x28b: {  	[sflag:s25] =	ssyncset.done $0x0  }
0x28c: {  	s23 =	rddreg [dreg:$0xc];
	[sflag:s25] =	ssyncadd.s32 $0xFFFF6000  }
0x28d: {  	[hbm4b:s23+s2] =	stream.linear.scatter [tilespmem:s10], [sflag:$0x3], $0xA000, $0x38;
	[tilespmem:$0x14200] =	vst v63  }
0x28e: {  	_ =	swait.ge [sflag:s28], $0xA000  }
0x28f: {  	[sflag:s28] =	ssyncset.done $0x0  }
0x290: {  	s24 =	rddreg [dreg:$0xd];
	[sflag:s28] =	ssyncadd.s32 $0xFFFF6000  }
0x291: {  	[hbm4b:s24+s2] =	stream.linear.scatter [tilespmem:s30], [sflag:$0x4], $0xA000, $0x38;
	[tilespmem:$0x14200] =	vst v63  }
0x292: {  	p0 =	sne.s32 s7, $0x1;
	_ =	swait.ge [sflag:s26], $0xA000  }
.Ltmp0:
0x293: {  	[sflag:s26] =	ssyncset.done $0x0;
	(pc) =	sbr.rel @p0 .LBB2_1-.Ltmp0, $4  }
0x294: {  	[sflag:s26] =	ssyncadd.s32 $0xFFFF6000  }
0x295: {  	_ =	swait.ge [sflag:s29], $0xA000  }
0x296: {  	[sflag:s29] =	ssyncset.done $0x0  }
0x297: {  	s7 =	sadd.s32 $0xFFFFFFFF, s7;
	[sflag:s29] =	ssyncadd.s32 $0xFFFF6000  }
0x298: {  	_ =	sfence.sel $0x180000  }
0x299: {  	[bflag:$0x0] =	sbarrier.arrive $0xFFFF  }
0x29a: {  	_ =	strace $0x90000047  }
0x29b: {  	s0 =	stileid.u32;
	[bflag:$0x2] =	sbarrier.arrive $0xFFFF  }
0x29c: {  	p0 =	sne.s32 s0, $0x0;
	s0 =	rddreg [dreg:$0x2]  }
0x29d: {  	s0 =	sadd.s32 @!p0 $0x100000, s0  }
0x29e: {  	[sflag:s0] =	ssyncadd.tile.s32 @!p0 $0x1;
	_ =	shalt  }
.Lfunc_end2:
_tile_overlayer_lowered:
.L_overlay_start_2:
0x29f: {  	(tag) =	ssettag $0x2  }
0x2a0: {  	s0 =	rddreg [dreg:$0x0];
	s2 =	stileid.u32  }
0x2a1: {  	s1 =	rddreg [dreg:$0x1];
	p0 =	sne.s32 s2, $0x0  }
0x2a2: {  	s3 =	rddreg [dreg:$0x2];
	[bflag:$0x3] =	sbarrier.arrive $0xFFFF;
	s2 =	simm.s32 @!p0 $0x1C05  }
0x2a3: {  	[timem:s3], [sflag:s2] =	dma.local @!p0 [hbm:s0], s1  }
0x2a4: {  	s0 =	simm.s32 @!p0 $0x5  }
0x2a5: {  	_ =	swait.ge @!p0 [sflag:s0], s1  }
0x2a6: {  	s1 =	ssub.s32 @!p0 $0x0, s1;
	[sflag:s0] =	ssyncset.done @!p0 $0x0  }
0x2a7: {  	[sflag:s0] =	ssyncadd.s32 @!p0 s1  }
0x2a8: {  	[bflag:$0x3] =	sbarrier.arrive $0xFFFF  }
0x2a9: {  	_ =	shalt  }

</sc_bundles>
